<compile_context>
chip_gen: v7x
topology: tpu7x:2x2x1
jax: 0.10.2.dev20260603
libtpu: 0.0.44.dev20260713+nightly
codegen_flags: <defaults>
</compile_context>

<pallas_src>
import jax
import jax.numpy as jnp
from jax import lax
from jax.experimental import pallas as pl
from jax.experimental.pallas import tpu as pltpu
from jax.experimental.pallas import tpu_sc as plsc

B, L, V, D = 4096, 200, 1000000, 64
NF, CV, CD = 26, 100000, 16
CONT, OUT = 16, 100

NC, NS = 2, 16
NW = NC * NS
BPW = B // NW
LH = L // 2
CAT_PER_W = BPW * NF
CC = 64
NCC = CAT_PER_W // CC

_INV_L = 1.0 / L

CHW = 1024
NCHF = 97
TAILV = NCHF * CHW
FPAD = 6256
TOTR = NF * FPAD
TPW = (NF * NCHF + NW - 1) // NW


def _tok_body(emb_hbm, x_hbm, pooled_hbm,
              x_v, ra0_v, rb0_v, ra1_v, rb1_v, pool_v, s0, s1, s2, s3):
    c = lax.axis_index("c")
    s = lax.axis_index("s")
    wid = s * NC + c
    base = wid * BPW

    pltpu.sync_copy(x_hbm.at[pl.ds(wid * (2 * BPW), 2 * BPW)], x_v)

    def fire_row(r, bufa, bufb, sa, sb):
        pltpu.async_copy(emb_hbm.at[x_v.at[2 * r]], bufa, sa)
        pltpu.async_copy(emb_hbm.at[x_v.at[2 * r + 1]], bufb, sb)

    def wait_row(bufa, bufb, sa, sb):
        pltpu.make_async_copy(emb_hbm.at[x_v.at[0]], bufa, sa).wait()
        pltpu.make_async_copy(emb_hbm.at[x_v.at[0]], bufb, sb).wait()

    def accum(r, bufa, bufb):
        def tok(i, accs):
            a0, a1, a2, a3 = accs
            for t in (2 * i, 2 * i + 1):
                a0 = a0 + bufa[t, 0:16] + bufb[t, 0:16]
                a1 = a1 + bufa[t, 16:32] + bufb[t, 16:32]
                a2 = a2 + bufa[t, 32:48] + bufb[t, 32:48]
                a3 = a3 + bufa[t, 48:64] + bufb[t, 48:64]
            return a0, a1, a2, a3

        z = jnp.zeros((16,), jnp.float32)
        a0, a1, a2, a3 = lax.fori_loop(0, LH // 2, tok, (z, z, z, z))
        pool_v[r, 0:16] = a0 * _INV_L
        pool_v[r, 16:32] = a1 * _INV_L
        pool_v[r, 32:48] = a2 * _INV_L
        pool_v[r, 48:64] = a3 * _INV_L

    fire_row(0, ra0_v, rb0_v, s0, s1)

    def body(i, carry):
        r0 = 2 * i
        wait_row(ra0_v, rb0_v, s0, s1)
        fire_row(r0 + 1, ra1_v, rb1_v, s2, s3)
        accum(r0, ra0_v, rb0_v)
        wait_row(ra1_v, rb1_v, s2, s3)

        @pl.when(r0 + 2 < BPW)
        def _():
            fire_row(r0 + 2, ra0_v, rb0_v, s0, s1)

        accum(r0 + 1, ra1_v, rb1_v)
        return carry

    lax.fori_loop(0, BPW // 2, body, 0)

    pltpu.sync_copy(pool_v, pooled_hbm.at[pl.ds(base, BPW)])


@jax.jit
def _sc_tokens(emb_table, x_r):
    mesh = plsc.VectorSubcoreMesh(core_axis_name="c", subcore_axis_name="s")
    f = pl.kernel(
        _tok_body,
        out_type=jax.ShapeDtypeStruct((B, D), jnp.float32),
        mesh=mesh,
        compiler_params=pltpu.CompilerParams(use_tc_tiling_on_sc=False),
        scratch_types=[
            pltpu.VMEM((2 * BPW, LH), jnp.int32),
            pltpu.VMEM((LH, D), jnp.float32),
            pltpu.VMEM((LH, D), jnp.float32),
            pltpu.VMEM((LH, D), jnp.float32),
            pltpu.VMEM((LH, D), jnp.float32),
            pltpu.VMEM((BPW, D), jnp.float32),
            pltpu.SemaphoreType.DMA,
            pltpu.SemaphoreType.DMA,
            pltpu.SemaphoreType.DMA,
            pltpu.SemaphoreType.DMA,
        ],
    )
    return f(emb_table, x_r)


def _tr_body(catT_hbm, tails_hbm, out_hbm, blk0_v, blk1_v, ob_v, tob_v,
             si0, si1):
    c = lax.axis_index("c")
    s = lax.axis_index("s")
    wid = s * NC + c

    @pl.when(wid < NF)
    def _():
        pltpu.sync_copy(tails_hbm.at[wid], tob_v)
        pltpu.sync_copy(tob_v, out_hbm.at[pl.ds(wid * FPAD + TAILV // 16, 48)])

    OBR = CHW // 16

    def adv(fc):
        f, cch = fc
        c2 = cch + NW
        wrap = c2 >= NCHF
        return (jnp.where(wrap, f + 1, f), jnp.where(wrap, c2 - NCHF, c2))

    def fire(fc, blk, sem, guard=False):
        f, cch = fc
        if guard:
            @pl.when(f < NF)
            def _():
                pltpu.async_copy(catT_hbm.at[f, :, pl.ds(cch * CHW, CHW)],
                                 blk, sem)
        else:
            pltpu.async_copy(catT_hbm.at[f, :, pl.ds(cch * CHW, CHW)],
                             blk, sem)

    def waitblk(blk, sem):
        pltpu.make_async_copy(catT_hbm.at[0, :, pl.ds(0, CHW)], blk,
                              sem).wait()

    def transpose_out(fc, blk):
        def tp(j, carry):
            for cd in range(CD):
                ob_v[j, 16 * cd:16 * (cd + 1)] = blk[cd, pl.ds(j * 16, 16)]
            return carry

        lax.fori_loop(0, OBR, tp, 0)
        f, cch = fc
        pltpu.sync_copy(ob_v, out_hbm.at[pl.ds(f * FPAD + cch * OBR, OBR)])

    fc0 = (jnp.int32(0), wid.astype(jnp.int32))
    fire(fc0, blk0_v, si0)
    fc1 = adv(fc0)

    def body(i, fc):
        fcA, fcB = fc
        waitblk(blk0_v, si0)
        fire(fcB, blk1_v, si1)
        transpose_out(fcA, blk0_v)
        fcC = adv(fcB)
        waitblk(blk1_v, si1)
        fire(fcC, blk0_v, si0, guard=True)
        transpose_out(fcB, blk1_v)
        return (fcC, adv(fcC))

    fcL, _unused = lax.fori_loop(0, 39, body, (fc0, fc1))

    @pl.when(fcL[0] < NF)
    def _():
        waitblk(blk0_v, si0)
        transpose_out(fcL, blk0_v)


@jax.jit
def _sc_transpose(catT, tails):
    mesh = plsc.VectorSubcoreMesh(core_axis_name="c", subcore_axis_name="s")
    f = pl.kernel(
        _tr_body,
        out_type=jax.ShapeDtypeStruct((TOTR, 256), jnp.float32),
        mesh=mesh,
        compiler_params=pltpu.CompilerParams(use_tc_tiling_on_sc=True,
                                             needs_layout_passes=False),
        scratch_types=[
            pltpu.VMEM((CD, CHW), jnp.float32),
            pltpu.VMEM((CD, CHW), jnp.float32),
            pltpu.VMEM((CHW // 16, 256), jnp.float32),
            pltpu.VMEM((48, 256), jnp.float32),
            pltpu.SemaphoreType.DMA,
            pltpu.SemaphoreType.DMA,
        ],
    )
    return f(catT, tails)


def _cat_body(cat_hbm, cg_hbm, co_hbm, catrows_hbm,
              cidx_v, co_v, ch0_v, ch1_v, cout_v, sc0, sc1):
    c = lax.axis_index("c")
    s = lax.axis_index("s")
    wid = s * NC + c
    base = wid * BPW

    pltpu.sync_copy(cg_hbm.at[wid], cidx_v)
    pltpu.sync_copy(co_hbm.at[wid], co_v)

    iotac = lax.iota(jnp.int32, 16) * CD

    def fire(j, buf, sem):
        pltpu.async_copy(cat_hbm.at[cidx_v.at[j]], buf, sem)

    def waitc(buf, sem):
        pltpu.make_async_copy(cat_hbm.at[cidx_v.at[0]], buf, sem).wait()

    def select_out(j, buf):
        def sel(g, carry2):
            o16 = co_v[j, pl.ds(g * 16, 16)]
            for k in range(16):
                t = g * 16 + k
                colv = iotac + o16[k]
                rowv = jnp.zeros((16,), jnp.int32) + t
                cout_v[t, 0:16] = plsc.load_gather(buf, [rowv, colv])
            return carry2

        lax.fori_loop(0, CC // 16, sel, 0)
        pltpu.sync_copy(cout_v, catrows_hbm.at[pl.ds(base * NF + j * CC, CC)])

    fire(0, ch0_v, sc0)

    def cat_pair(i, carry):
        j0 = 2 * i
        waitc(ch0_v, sc0)
        fire(j0 + 1, ch1_v, sc1)
        select_out(j0, ch0_v)
        waitc(ch1_v, sc1)

        @pl.when(j0 + 2 < NCC)
        def _():
            fire(j0 + 2, ch0_v, sc0)

        select_out(j0 + 1, ch1_v)
        return carry

    lax.fori_loop(0, NCC // 2, cat_pair, 0)


@jax.jit
def _sc_cat(cat2, cg, co):
    mesh = plsc.VectorSubcoreMesh(core_axis_name="c", subcore_axis_name="s")
    f = pl.kernel(
        _cat_body,
        out_type=jax.ShapeDtypeStruct((B * NF, CD), jnp.float32),
        mesh=mesh,
        compiler_params=pltpu.CompilerParams(use_tc_tiling_on_sc=True,
                                             needs_layout_passes=False),
        scratch_types=[
            pltpu.VMEM((NCC, CC), jnp.int32),
            pltpu.VMEM((NCC, CC), jnp.int32),
            pltpu.VMEM((CC, 256), jnp.float32),
            pltpu.VMEM((CC, 256), jnp.float32),
            pltpu.VMEM((CC, CD), jnp.float32),
            pltpu.SemaphoreType.DMA,
            pltpu.SemaphoreType.DMA,
        ],
    )
    return f(cat2, cg, co)


def _tc_body(pooled_ref, cont_ref, cat_ref, w1_ref, w2_ref, w3_ref, b_ref,
             out_ref):
    logits = (
        jnp.dot(pooled_ref[...], w1_ref[...], preferred_element_type=jnp.float32)
        + jnp.dot(cont_ref[...], w2_ref[...], preferred_element_type=jnp.float32)
        + jnp.dot(cat_ref[...], w3_ref[...], preferred_element_type=jnp.float32)
        + b_ref[...]
    )
    m = jnp.max(logits, axis=1, keepdims=True)
    e = jnp.exp(logits - m)
    lse = m + jnp.log(jnp.sum(e, axis=1, keepdims=True))
    out_ref[...] = logits - lse


def _tc_fc(pooled, cont, cat, w1, w2, w3, b2):
    BM = 512
    grid = (B // BM,)
    return pl.pallas_call(
        _tc_body,
        grid=grid,
        in_specs=[
            pl.BlockSpec((BM, D), lambda i: (i, 0)),
            pl.BlockSpec((BM, CONT), lambda i: (i, 0)),
            pl.BlockSpec((BM, NF * CD), lambda i: (i, 0)),
            pl.BlockSpec((D, OUT), lambda i: (0, 0)),
            pl.BlockSpec((CONT, OUT), lambda i: (0, 0)),
            pl.BlockSpec((NF * CD, OUT), lambda i: (0, 0)),
            pl.BlockSpec((1, OUT), lambda i: (0, 0)),
        ],
        out_specs=pl.BlockSpec((BM, OUT), lambda i: (i, 0)),
        out_shape=jax.ShapeDtypeStruct((B, OUT), jnp.float32),
    )(pooled, cont, cat, w1, w2, w3, b2)


def kernel(x, continuous_features, categorical_features, emb_table, cat_tables,
           W, b):
    x_r = x.reshape(B * 2, LH)
    ci = categorical_features
    cg = ((ci >> 4)
          + (jnp.arange(NF, dtype=jnp.int32) * FPAD)[None, :])
    cg = cg.reshape(NW, NCC, CC)
    co = (ci & 15).reshape(NW, NCC, CC)
    catT = jnp.transpose(cat_tables, (0, 2, 1))
    tails = jnp.transpose(cat_tables[:, TAILV:, :], (0, 2, 1))
    tails = tails.reshape(NF, CD, 42, 16).transpose(0, 2, 1, 3)
    tails = tails.reshape(NF, 42, 256)
    tails = jnp.pad(tails, ((0, 0), (0, 6), (0, 0)))

    cat2 = _sc_transpose(catT, tails)
    cat_rows = _sc_cat(cat2, cg, co)
    pooled = _sc_tokens(emb_table, x_r)
    cat_emb = cat_rows.reshape(B, NF * CD)

    w1 = W[:, :D].T
    w2 = W[:, D:D + CONT].T
    w3 = W[:, D + CONT:].T
    b2 = b.reshape(1, OUT)
    return _tc_fc(pooled, continuous_features, cat_emb, w1, w2, w3, b2)

# --- scband reference (transcript-rebuilt; emitter-appended) ---
"""Pipeline reference for scband-fast-text-with-tabular-data-47270410060080 (READ-ONLY COPY).

The authoritative reference and input builder live on the scoring server;
editing this copy changes nothing except your own understanding.
"""

import jax, jax.numpy as jnp
import numpy as np

B, L, V, D = 4096, 200, 1000000, 64
NF, CV, CD = 26, 100000, 16
CONT, OUT = 16, 100
IN_DIM = NF * CD + CONT + D


def setup_inputs(seed: int = 0) -> dict:
    key = jax.random.key(seed)
    ks = jax.random.split(key, 8)
    x = jax.random.randint(ks[0], (B, L), 0, V, dtype=jnp.int32)
    continuous_features = jax.random.normal(ks[1], (B, CONT), dtype=jnp.float32)
    categorical_features = jax.random.randint(ks[2], (B, NF), 0, CV, dtype=jnp.int32)
    emb_table = jax.random.normal(ks[3], (V, D), dtype=jnp.float32) * 0.02
    cat_tables = jax.random.normal(ks[4], (NF, CV, CD), dtype=jnp.float32) * 0.02
    W = jax.random.normal(ks[5], (OUT, IN_DIM), dtype=jnp.float32) * (1.0 / np.sqrt(IN_DIM))
    b = jnp.zeros((OUT,), dtype=jnp.float32)
    return {"x": x, "continuous_features": continuous_features, "categorical_features": categorical_features, "emb_table": emb_table, "cat_tables": cat_tables, "W": W, "b": b}


def reference(x, continuous_features, categorical_features, emb_table, cat_tables, W, b):
    # embedding lookup over token sequence
    embedded = jnp.take(emb_table, x, axis=0)  # [B, L, D]
    # avg_pool2d over (L, 1) followed by squeeze == mean over sequence dim
    pooled = jnp.mean(embedded, axis=1)  # [B, D]
    # dropout p in eval-equivalent deterministic form: identity
    # per-field categorical embedding lookups, concatenated along feature dim
    cat_emb = jax.vmap(lambda t, i: jnp.take(t, i, axis=0), in_axes=(0, 1), out_axes=1)(cat_tables, categorical_features)  # [B, NF, CD]
    cat_emb = cat_emb.reshape(cat_emb.shape[0], NF * CD)
    features = jnp.concatenate([pooled, continuous_features, cat_emb], axis=1)
    logits = features @ W.T + b
    return jax.nn.log_softmax(logits, axis=-1)

if __name__ == "__main__":
    import jax
    _d = setup_inputs()
    print(jax.jit(kernel)(*tuple(_d.values())))

</pallas_src>

<mosaic_0001>
#map = affine_map<(d0, d1) -> (0, 0, 0)>
#map1 = affine_map<(d0, d1) -> (0, 0)>
module attributes {stable_mosaic.version = 14 : i64} {
  func.func @_tr_body(%arg0: i32, %arg1: i32, %arg2: memref<26x16x100000xf32, #tpu.memory_space<hbm>>, %arg3: memref<26x48x256xf32, #tpu.memory_space<hbm>>, %arg4: memref<162656x256xf32, #tpu.memory_space<hbm>>, %arg5: memref<16x1024xf32, #tpu.memory_space<vmem>>, %arg6: memref<16x1024xf32, #tpu.memory_space<vmem>>, %arg7: memref<64x256xf32, #tpu.memory_space<vmem>>, %arg8: memref<48x256xf32, #tpu.memory_space<vmem>>, %arg9: memref<!tpu.dma_semaphore, #tpu.memory_space<semaphore_mem>>, %arg10: memref<!tpu.dma_semaphore, #tpu.memory_space<semaphore_mem>>) attributes {dimension_semantics = [#tpu.dimension_semantics<core_parallel>, #tpu.dimension_semantics<subcore_parallel>], iteration_bounds = array<i64: 2, 16>, scalar_prefetch = 0 : i64, scratch_operands = 6 : i64, tpu.core_type = #tpu.core_type<sc_vector_subcore>, window_params = [{transform_indices = #map}, {transform_indices = #map}, {transform_indices = #map1}]} {
    %mul3A = arith.constant 2 : i32
    %mul3A_0 = arith.muli %arg1, %mul3A : i32
    %add3A = arith.addi %mul3A_0, %arg0 : i32
    %lt3A = arith.constant 26 : i32
    %lt3A_1 = arith.cmpi slt, %add3A, %lt3A : i32
    %convert_element_type3A = arith.extui %lt3A_1 : i1 to i32
    %cond3A = arith.constant 0 : i32
    %cond3A_2 = arith.cmpi ne, %convert_element_type3A, %cond3A : i32
    scf.if %cond3A_2 {
      "tpu.region"() ({
        %run_scoped3A = tpu.sem_alloc : memref<!tpu.dma_semaphore, #tpu.memory_space<semaphore_mem>>
        %dma_start3A_34 = arith.constant 0 : i32
        %dma_start3A_35 = arith.constant 0 : i32
        %dma_start3A_36 = tpu.memref_slice %arg3[%add3A, %dma_start3A_34, %dma_start3A_35] : memref<26x48x256xf32, #tpu.memory_space<hbm>> -> memref<1x48x256xf32, #tpu.memory_space<hbm>>
        %dma_start3A_37 = tpu.memref_squeeze %dma_start3A_36 : memref<1x48x256xf32, #tpu.memory_space<hbm>> -> memref<48x256xf32, #tpu.memory_space<hbm>>
        %dma_start3A_38 = arith.constant 0 : i32
        %dma_start3A_39 = arith.constant 0 : i32
        %dma_start3A_40 = tpu.memref_slice %arg3[%add3A, %dma_start3A_38, %dma_start3A_39] : memref<26x48x256xf32, #tpu.memory_space<hbm>> -> memref<1x48x256xf32, #tpu.memory_space<hbm>>
        %dma_start3A_41 = tpu.memref_squeeze %dma_start3A_40 : memref<1x48x256xf32, #tpu.memory_space<hbm>> -> memref<48x256xf32, #tpu.memory_space<hbm>>
        tpu.enqueue_dma source(%dma_start3A_41 : memref<48x256xf32, #tpu.memory_space<hbm>>) target(%arg8 : memref<48x256xf32, #tpu.memory_space<vmem>>) target_semaphore(%run_scoped3A : memref<!tpu.dma_semaphore, #tpu.memory_space<semaphore_mem>>)
        %dma_wait3A = arith.constant 0 : i32
        %dma_wait3A_42 = arith.constant 0 : i32
        %dma_wait3A_43 = tpu.memref_slice %arg3[%add3A, %dma_wait3A, %dma_wait3A_42] : memref<26x48x256xf32, #tpu.memory_space<hbm>> -> memref<1x48x256xf32, #tpu.memory_space<hbm>>
        %dma_wait3A_44 = tpu.memref_squeeze %dma_wait3A_43 : memref<1x48x256xf32, #tpu.memory_space<hbm>> -> memref<48x256xf32, #tpu.memory_space<hbm>>
        %dma_wait3A_45 = arith.constant 0 : i32
        %dma_wait3A_46 = arith.constant 0 : i32
        %dma_wait3A_47 = tpu.memref_slice %arg3[%add3A, %dma_wait3A_45, %dma_wait3A_46] : memref<26x48x256xf32, #tpu.memory_space<hbm>> -> memref<1x48x256xf32, #tpu.memory_space<hbm>>
        %dma_wait3A_48 = tpu.memref_squeeze %dma_wait3A_47 : memref<1x48x256xf32, #tpu.memory_space<hbm>> -> memref<48x256xf32, #tpu.memory_space<hbm>>
        tpu.wait_dma2 semaphore(%run_scoped3A : memref<!tpu.dma_semaphore, #tpu.memory_space<semaphore_mem>>) src(%dma_wait3A_48 : memref<48x256xf32, #tpu.memory_space<hbm>>) dst(%arg8 : memref<48x256xf32, #tpu.memory_space<vmem>>)
        tpu.yield
      }) : () -> ()
      %mul3A_30 = arith.constant 6256 : i32
      %mul3A_31 = arith.muli %add3A, %mul3A_30 : i32
      %add3A_32 = arith.constant 6208 : i32
      %add3A_33 = arith.addi %mul3A_31, %add3A_32 : i32
      "tpu.region"() ({
        %run_scoped3A = tpu.sem_alloc : memref<!tpu.dma_semaphore, #tpu.memory_space<semaphore_mem>>
        %dma_start3A_34 = arith.constant 0 : i32
        %dma_start3A_35 = tpu.memref_slice %arg4[%add3A_33, %dma_start3A_34] : memref<162656x256xf32, #tpu.memory_space<hbm>> -> memref<48x256xf32, #tpu.memory_space<hbm>>
        %dma_start3A_36 = arith.constant 0 : i32
        %dma_start3A_37 = tpu.memref_slice %arg4[%add3A_33, %dma_start3A_36] : memref<162656x256xf32, #tpu.memory_space<hbm>> -> memref<48x256xf32, #tpu.memory_space<hbm>>
        tpu.enqueue_dma source(%arg8 : memref<48x256xf32, #tpu.memory_space<vmem>>) target(%dma_start3A_37 : memref<48x256xf32, #tpu.memory_space<hbm>>) target_semaphore(%run_scoped3A : memref<!tpu.dma_semaphore, #tpu.memory_space<semaphore_mem>>)
        %dma_wait3A = arith.constant 0 : i32
        %dma_wait3A_38 = tpu.memref_slice %arg4[%add3A_33, %dma_wait3A] : memref<162656x256xf32, #tpu.memory_space<hbm>> -> memref<48x256xf32, #tpu.memory_space<hbm>>
        %dma_wait3A_39 = arith.constant 0 : i32
        %dma_wait3A_40 = tpu.memref_slice %arg4[%add3A_33, %dma_wait3A_39] : memref<162656x256xf32, #tpu.memory_space<hbm>> -> memref<48x256xf32, #tpu.memory_space<hbm>>
        tpu.wait_dma2 semaphore(%run_scoped3A : memref<!tpu.dma_semaphore, #tpu.memory_space<semaphore_mem>>) src(%arg8 : memref<48x256xf32, #tpu.memory_space<vmem>>) dst(%dma_wait3A_40 : memref<48x256xf32, #tpu.memory_space<hbm>>)
        tpu.yield
      }) : () -> ()
    } else {
    }
    %mul3A_3 = arith.constant 1024 : i32
    %mul3A_4 = arith.muli %add3A, %mul3A_3 : i32
    %dma_start3A = arith.constant 0 : i32
    %dma_start3A_5 = arith.constant 0 : i32
    %dma_start3A_6 = tpu.memref_slice %arg2[%dma_start3A, %dma_start3A_5, %mul3A_4] : memref<26x16x100000xf32, #tpu.memory_space<hbm>> -> memref<1x16x1024xf32, #tpu.memory_space<hbm>>
    %dma_start3A_7 = tpu.memref_squeeze %dma_start3A_6 : memref<1x16x1024xf32, #tpu.memory_space<hbm>> -> memref<16x1024xf32, #tpu.memory_space<hbm>>
    %dma_start3A_8 = arith.constant 0 : i32
    %dma_start3A_9 = tpu.memref_slice %arg2[%dma_start3A, %dma_start3A_8, %mul3A_4] : memref<26x16x100000xf32, #tpu.memory_space<hbm>> -> memref<1x16x1024xf32, #tpu.memory_space<hbm>>
    %dma_start3A_10 = tpu.memref_squeeze %dma_start3A_9 : memref<1x16x1024xf32, #tpu.memory_space<hbm>> -> memref<16x1024xf32, #tpu.memory_space<hbm>>
    tpu.enqueue_dma source(%dma_start3A_10 : memref<16x1024xf32, #tpu.memory_space<hbm>>) target(%arg5 : memref<16x1024xf32, #tpu.memory_space<vmem>>) target_semaphore(%arg9 : memref<!tpu.dma_semaphore, #tpu.memory_space<semaphore_mem>>)
    %add3A_11 = arith.constant 32 : i32
    %add3A_12 = arith.addi %add3A, %add3A_11 : i32
    %ge3A = arith.constant 97 : i32
    %ge3A_13 = arith.cmpi sge, %add3A_12, %ge3A : i32
    %add3A_14 = arith.constant 0 : i32
    %add3A_15 = arith.constant 1 : i32
    %add3A_16 = arith.addi %add3A_14, %add3A_15 : i32
    %jit3A = arith.constant 0 : i32
    %select_n3A = arith.select %ge3A_13, %add3A_16, %jit3A : i32
    %sub3A = arith.constant 97 : i32
    %sub3A_17 = arith.subi %add3A_12, %sub3A : i32
    %select_n3A_18 = arith.select %ge3A_13, %sub3A_17, %add3A_12 : i32
    %scan3A = arith.constant 0 : i32
    %scan3A_19 = arith.constant 0 : i32
    %scan3A_20 = arith.constant 39 : i32
    %scan3A_21 = arith.addi %scan3A_19, %scan3A_20 : i32
    %scan3A_22 = arith.constant 1 : i32
    %scan3A_23:4 = scf.for %scan3A_30 = %scan3A_19 to %scan3A_21 step %scan3A_22 iter_args(%scan3A_31 = %scan3A, %scan3A_32 = %add3A, %scan3A_33 = %select_n3A, %scan3A_34 = %select_n3A_18) -> (i32, i32, i32, i32)  : i32 {
      %dma_wait3A = arith.constant 0 : i32
      %dma_wait3A_35 = arith.constant 0 : i32
      %dma_wait3A_36 = arith.constant 0 : i32
      %dma_wait3A_37 = tpu.memref_slice %arg2[%dma_wait3A, %dma_wait3A_35, %dma_wait3A_36] : memref<26x16x100000xf32, #tpu.memory_space<hbm>> -> memref<1x16x1024xf32, #tpu.memory_space<hbm>>
      %dma_wait3A_38 = tpu.memref_squeeze %dma_wait3A_37 : memref<1x16x1024xf32, #tpu.memory_space<hbm>> -> memref<16x1024xf32, #tpu.memory_space<hbm>>
      %dma_wait3A_39 = arith.constant 0 : i32
      %dma_wait3A_40 = arith.constant 0 : i32
      %dma_wait3A_41 = tpu.memref_slice %arg2[%dma_wait3A, %dma_wait3A_39, %dma_wait3A_40] : memref<26x16x100000xf32, #tpu.memory_space<hbm>> -> memref<1x16x1024xf32, #tpu.memory_space<hbm>>
      %dma_wait3A_42 = tpu.memref_squeeze %dma_wait3A_41 : memref<1x16x1024xf32, #tpu.memory_space<hbm>> -> memref<16x1024xf32, #tpu.memory_space<hbm>>
      tpu.wait_dma2 semaphore(%arg9 : memref<!tpu.dma_semaphore, #tpu.memory_space<semaphore_mem>>) src(%dma_wait3A_42 : memref<16x1024xf32, #tpu.memory_space<hbm>>) dst(%arg5 : memref<16x1024xf32, #tpu.memory_space<vmem>>)
      %mul3A_43 = arith.constant 1024 : i32
      %mul3A_44 = arith.muli %scan3A_34, %mul3A_43 : i32
      %dma_start3A_45 = arith.constant 0 : i32
      %dma_start3A_46 = tpu.memref_slice %arg2[%scan3A_33, %dma_start3A_45, %mul3A_44] : memref<26x16x100000xf32, #tpu.memory_space<hbm>> -> memref<1x16x1024xf32, #tpu.memory_space<hbm>>
      %dma_start3A_47 = tpu.memref_squeeze %dma_start3A_46 : memref<1x16x1024xf32, #tpu.memory_space<hbm>> -> memref<16x1024xf32, #tpu.memory_space<hbm>>
      %dma_start3A_48 = arith.constant 0 : i32
      %dma_start3A_49 = tpu.memref_slice %arg2[%scan3A_33, %dma_start3A_48, %mul3A_44] : memref<26x16x100000xf32, #tpu.memory_space<hbm>> -> memref<1x16x1024xf32, #tpu.memory_space<hbm>>
      %dma_start3A_50 = tpu.memref_squeeze %dma_start3A_49 : memref<1x16x1024xf32, #tpu.memory_space<hbm>> -> memref<16x1024xf32, #tpu.memory_space<hbm>>
      tpu.enqueue_dma source(%dma_start3A_50 : memref<16x1024xf32, #tpu.memory_space<hbm>>) target(%arg6 : memref<16x1024xf32, #tpu.memory_space<vmem>>) target_semaphore(%arg10 : memref<!tpu.dma_semaphore, #tpu.memory_space<semaphore_mem>>)
      %scan3A_51 = arith.constant 0 : i32
      %scan3A_52 = arith.constant 0 : i32
      %scan3A_53 = arith.constant 64 : i32
      %scan3A_54 = arith.addi %scan3A_52, %scan3A_53 : i32
      %scan3A_55 = arith.constant 1 : i32
      scf.for %scan3A_107 = %scan3A_52 to %scan3A_54 step %scan3A_55  : i32 {
        %mul3A_108 = arith.constant 16 : i32
        %mul3A_109 = arith.muli %scan3A_107, %mul3A_108 : i32
        %get3A = arith.constant 0 : i32
        %get3A_110 = arith.index_cast %get3A : i32 to index
        %get3A_111 = arith.index_cast %mul3A_109 : i32 to index
        %get3A_112 = tpu.vector_load %arg5[%get3A_110, %get3A_111] {strides = array<i32>} : memref<16x1024xf32, #tpu.memory_space<vmem>>, vector<16xf32>,
        %swap3A = arith.index_cast %scan3A_107 : i32 to index
        %swap3A_113 = arith.constant 0 : index
        %swap3A_114 = tpu.vector_load %arg7[%swap3A, %swap3A_113] {strides = array<i32>} : memref<64x256xf32, #tpu.memory_space<vmem>>, vector<16xf32>,
        tpu.vector_store %arg7[%swap3A, %swap3A_113], %get3A_112 {strides = array<i32>} : memref<64x256xf32, #tpu.memory_space<vmem>>, vector<16xf32>,
        %mul3A_115 = arith.constant 16 : i32
        %mul3A_116 = arith.muli %scan3A_107, %mul3A_115 : i32
        %get3A_117 = arith.constant 1 : i32
        %get3A_118 = arith.index_cast %get3A_117 : i32 to index
        %get3A_119 = arith.index_cast %mul3A_116 : i32 to index
        %get3A_120 = tpu.vector_load %arg5[%get3A_118, %get3A_119] {strides = array<i32>} : memref<16x1024xf32, #tpu.memory_space<vmem>>, vector<16xf32>,
        %swap3A_121 = arith.index_cast %scan3A_107 : i32 to index
        %swap3A_122 = arith.constant 16 : index
        %swap3A_123 = tpu.vector_load %arg7[%swap3A_121, %swap3A_122] {strides = array<i32>} : memref<64x256xf32, #tpu.memory_space<vmem>>, vector<16xf32>,
        tpu.vector_store %arg7[%swap3A_121, %swap3A_122], %get3A_120 {strides = array<i32>} : memref<64x256xf32, #tpu.memory_space<vmem>>, vector<16xf32>,
        %mul3A_124 = arith.constant 16 : i32
        %mul3A_125 = arith.muli %scan3A_107, %mul3A_124 : i32
        %get3A_126 = arith.constant 2 : i32
        %get3A_127 = arith.index_cast %get3A_126 : i32 to index
        %get3A_128 = arith.index_cast %mul3A_125 : i32 to index
        %get3A_129 = tpu.vector_load %arg5[%get3A_127, %get3A_128] {strides = array<i32>} : memref<16x1024xf32, #tpu.memory_space<vmem>>, vector<16xf32>,
        %swap3A_130 = arith.index_cast %scan3A_107 : i32 to index
        %swap3A_131 = arith.constant 32 : index
        %swap3A_132 = tpu.vector_load %arg7[%swap3A_130, %swap3A_131] {strides = array<i32>} : memref<64x256xf32, #tpu.memory_space<vmem>>, vector<16xf32>,
        tpu.vector_store %arg7[%swap3A_130, %swap3A_131], %get3A_129 {strides = array<i32>} : memref<64x256xf32, #tpu.memory_space<vmem>>, vector<16xf32>,
        %mul3A_133 = arith.constant 16 : i32
        %mul3A_134 = arith.muli %scan3A_107, %mul3A_133 : i32
        %get3A_135 = arith.constant 3 : i32
        %get3A_136 = arith.index_cast %get3A_135 : i32 to index
        %get3A_137 = arith.index_cast %mul3A_134 : i32 to index
        %get3A_138 = tpu.vector_load %arg5[%get3A_136, %get3A_137] {strides = array<i32>} : memref<16x1024xf32, #tpu.memory_space<vmem>>, vector<16xf32>,
        %swap3A_139 = arith.index_cast %scan3A_107 : i32 to index
        %swap3A_140 = arith.constant 48 : index
        %swap3A_141 = tpu.vector_load %arg7[%swap3A_139, %swap3A_140] {strides = array<i32>} : memref<64x256xf32, #tpu.memory_space<vmem>>, vector<16xf32>,
        tpu.vector_store %arg7[%swap3A_139, %swap3A_140], %get3A_138 {strides = array<i32>} : memref<64x256xf32, #tpu.memory_space<vmem>>, vector<16xf32>,
        %mul3A_142 = arith.constant 16 : i32
        %mul3A_143 = arith.muli %scan3A_107, %mul3A_142 : i32
        %get3A_144 = arith.constant 4 : i32
        %get3A_145 = arith.index_cast %get3A_144 : i32 to index
        %get3A_146 = arith.index_cast %mul3A_143 : i32 to index
        %get3A_147 = tpu.vector_load %arg5[%get3A_145, %get3A_146] {strides = array<i32>} : memref<16x1024xf32, #tpu.memory_space<vmem>>, vector<16xf32>,
        %swap3A_148 = arith.index_cast %scan3A_107 : i32 to index
        %swap3A_149 = arith.constant 64 : index
        %swap3A_150 = tpu.vector_load %arg7[%swap3A_148, %swap3A_149] {strides = array<i32>} : memref<64x256xf32, #tpu.memory_space<vmem>>, vector<16xf32>,
        tpu.vector_store %arg7[%swap3A_148, %swap3A_149], %get3A_147 {strides = array<i32>} : memref<64x256xf32, #tpu.memory_space<vmem>>, vector<16xf32>,
        %mul3A_151 = arith.constant 16 : i32
        %mul3A_152 = arith.muli %scan3A_107, %mul3A_151 : i32
        %get3A_153 = arith.constant 5 : i32
        %get3A_154 = arith.index_cast %get3A_153 : i32 to index
        %get3A_155 = arith.index_cast %mul3A_152 : i32 to index
        %get3A_156 = tpu.vector_load %arg5[%get3A_154, %get3A_155] {strides = array<i32>} : memref<16x1024xf32, #tpu.memory_space<vmem>>, vector<16xf32>,
        %swap3A_157 = arith.index_cast %scan3A_107 : i32 to index
        %swap3A_158 = arith.constant 80 : index
        %swap3A_159 = tpu.vector_load %arg7[%swap3A_157, %swap3A_158] {strides = array<i32>} : memref<64x256xf32, #tpu.memory_space<vmem>>, vector<16xf32>,
        tpu.vector_store %arg7[%swap3A_157, %swap3A_158], %get3A_156 {strides = array<i32>} : memref<64x256xf32, #tpu.memory_space<vmem>>, vector<16xf32>,
        %mul3A_160 = arith.constant 16 : i32
        %mul3A_161 = arith.muli %scan3A_107, %mul3A_160 : i32
        %get3A_162 = arith.constant 6 : i32
        %get3A_163 = arith.index_cast %get3A_162 : i32 to index
        %get3A_164 = arith.index_cast %mul3A_161 : i32 to index
        %get3A_165 = tpu.vector_load %arg5[%get3A_163, %get3A_164] {strides = array<i32>} : memref<16x1024xf32, #tpu.memory_space<vmem>>, vector<16xf32>,
        %swap3A_166 = arith.index_cast %scan3A_107 : i32 to index
        %swap3A_167 = arith.constant 96 : index
        %swap3A_168 = tpu.vector_load %arg7[%swap3A_166, %swap3A_167] {strides = array<i32>} : memref<64x256xf32, #tpu.memory_space<vmem>>, vector<16xf32>,
        tpu.vector_store %arg7[%swap3A_166, %swap3A_167], %get3A_165 {strides = array<i32>} : memref<64x256xf32, #tpu.memory_space<vmem>>, vector<16xf32>,
        %mul3A_169 = arith.constant 16 : i32
        %mul3A_170 = arith.muli %scan3A_107, %mul3A_169 : i32
        %get3A_171 = arith.constant 7 : i32
        %get3A_172 = arith.index_cast %get3A_171 : i32 to index
        %get3A_173 = arith.index_cast %mul3A_170 : i32 to index
        %get3A_174 = tpu.vector_load %arg5[%get3A_172, %get3A_173] {strides = array<i32>} : memref<16x1024xf32, #tpu.memory_space<vmem>>, vector<16xf32>,
        %swap3A_175 = arith.index_cast %scan3A_107 : i32 to index
        %swap3A_176 = arith.constant 112 : index
        %swap3A_177 = tpu.vector_load %arg7[%swap3A_175, %swap3A_176] {strides = array<i32>} : memref<64x256xf32, #tpu.memory_space<vmem>>, vector<16xf32>,
        tpu.vector_store %arg7[%swap3A_175, %swap3A_176], %get3A_174 {strides = array<i32>} : memref<64x256xf32, #tpu.memory_space<vmem>>, vector<16xf32>,
        %mul3A_178 = arith.constant 16 : i32
        %mul3A_179 = arith.muli %scan3A_107, %mul3A_178 : i32
        %get3A_180 = arith.constant 8 : i32
        %get3A_181 = arith.index_cast %get3A_180 : i32 to index
        %get3A_182 = arith.index_cast %mul3A_179 : i32 to index
        %get3A_183 = tpu.vector_load %arg5[%get3A_181, %get3A_182] {strides = array<i32>} : memref<16x1024xf32, #tpu.memory_space<vmem>>, vector<16xf32>,
        %swap3A_184 = arith.index_cast %scan3A_107 : i32 to index
        %swap3A_185 = arith.constant 128 : index
        %swap3A_186 = tpu.vector_load %arg7[%swap3A_184, %swap3A_185] {strides = array<i32>} : memref<64x256xf32, #tpu.memory_space<vmem>>, vector<16xf32>,
        tpu.vector_store %arg7[%swap3A_184, %swap3A_185], %get3A_183 {strides = array<i32>} : memref<64x256xf32, #tpu.memory_space<vmem>>, vector<16xf32>,
        %mul3A_187 = arith.constant 16 : i32
        %mul3A_188 = arith.muli %scan3A_107, %mul3A_187 : i32
        %get3A_189 = arith.constant 9 : i32
        %get3A_190 = arith.index_cast %get3A_189 : i32 to index
        %get3A_191 = arith.index_cast %mul3A_188 : i32 to index
        %get3A_192 = tpu.vector_load %arg5[%get3A_190, %get3A_191] {strides = array<i32>} : memref<16x1024xf32, #tpu.memory_space<vmem>>, vector<16xf32>,
        %swap3A_193 = arith.index_cast %scan3A_107 : i32 to index
        %swap3A_194 = arith.constant 144 : index
        %swap3A_195 = tpu.vector_load %arg7[%swap3A_193, %swap3A_194] {strides = array<i32>} : memref<64x256xf32, #tpu.memory_space<vmem>>, vector<16xf32>,
        tpu.vector_store %arg7[%swap3A_193, %swap3A_194], %get3A_192 {strides = array<i32>} : memref<64x256xf32, #tpu.memory_space<vmem>>, vector<16xf32>,
        %mul3A_196 = arith.constant 16 : i32
        %mul3A_197 = arith.muli %scan3A_107, %mul3A_196 : i32
        %get3A_198 = arith.constant 10 : i32
        %get3A_199 = arith.index_cast %get3A_198 : i32 to index
        %get3A_200 = arith.index_cast %mul3A_197 : i32 to index
        %get3A_201 = tpu.vector_load %arg5[%get3A_199, %get3A_200] {strides = array<i32>} : memref<16x1024xf32, #tpu.memory_space<vmem>>, vector<16xf32>,
        %swap3A_202 = arith.index_cast %scan3A_107 : i32 to index
        %swap3A_203 = arith.constant 160 : index
        %swap3A_204 = tpu.vector_load %arg7[%swap3A_202, %swap3A_203] {strides = array<i32>} : memref<64x256xf32, #tpu.memory_space<vmem>>, vector<16xf32>,
        tpu.vector_store %arg7[%swap3A_202, %swap3A_203], %get3A_201 {strides = array<i32>} : memref<64x256xf32, #tpu.memory_space<vmem>>, vector<16xf32>,
        %mul3A_205 = arith.constant 16 : i32
        %mul3A_206 = arith.muli %scan3A_107, %mul3A_205 : i32
        %get3A_207 = arith.constant 11 : i32
        %get3A_208 = arith.index_cast %get3A_207 : i32 to index
        %get3A_209 = arith.index_cast %mul3A_206 : i32 to index
        %get3A_210 = tpu.vector_load %arg5[%get3A_208, %get3A_209] {strides = array<i32>} : memref<16x1024xf32, #tpu.memory_space<vmem>>, vector<16xf32>,
        %swap3A_211 = arith.index_cast %scan3A_107 : i32 to index
        %swap3A_212 = arith.constant 176 : index
        %swap3A_213 = tpu.vector_load %arg7[%swap3A_211, %swap3A_212] {strides = array<i32>} : memref<64x256xf32, #tpu.memory_space<vmem>>, vector<16xf32>,
        tpu.vector_store %arg7[%swap3A_211, %swap3A_212], %get3A_210 {strides = array<i32>} : memref<64x256xf32, #tpu.memory_space<vmem>>, vector<16xf32>,
        %mul3A_214 = arith.constant 16 : i32
        %mul3A_215 = arith.muli %scan3A_107, %mul3A_214 : i32
        %get3A_216 = arith.constant 12 : i32
        %get3A_217 = arith.index_cast %get3A_216 : i32 to index
        %get3A_218 = arith.index_cast %mul3A_215 : i32 to index
        %get3A_219 = tpu.vector_load %arg5[%get3A_217, %get3A_218] {strides = array<i32>} : memref<16x1024xf32, #tpu.memory_space<vmem>>, vector<16xf32>,
        %swap3A_220 = arith.index_cast %scan3A_107 : i32 to index
        %swap3A_221 = arith.constant 192 : index
        %swap3A_222 = tpu.vector_load %arg7[%swap3A_220, %swap3A_221] {strides = array<i32>} : memref<64x256xf32, #tpu.memory_space<vmem>>, vector<16xf32>,
        tpu.vector_store %arg7[%swap3A_220, %swap3A_221], %get3A_219 {strides = array<i32>} : memref<64x256xf32, #tpu.memory_space<vmem>>, vector<16xf32>,
        %mul3A_223 = arith.constant 16 : i32
        %mul3A_224 = arith.muli %scan3A_107, %mul3A_223 : i32
        %get3A_225 = arith.constant 13 : i32
        %get3A_226 = arith.index_cast %get3A_225 : i32 to index
        %get3A_227 = arith.index_cast %mul3A_224 : i32 to index
        %get3A_228 = tpu.vector_load %arg5[%get3A_226, %get3A_227] {strides = array<i32>} : memref<16x1024xf32, #tpu.memory_space<vmem>>, vector<16xf32>,
        %swap3A_229 = arith.index_cast %scan3A_107 : i32 to index
        %swap3A_230 = arith.constant 208 : index
        %swap3A_231 = tpu.vector_load %arg7[%swap3A_229, %swap3A_230] {strides = array<i32>} : memref<64x256xf32, #tpu.memory_space<vmem>>, vector<16xf32>,
        tpu.vector_store %arg7[%swap3A_229, %swap3A_230], %get3A_228 {strides = array<i32>} : memref<64x256xf32, #tpu.memory_space<vmem>>, vector<16xf32>,
        %mul3A_232 = arith.constant 16 : i32
        %mul3A_233 = arith.muli %scan3A_107, %mul3A_232 : i32
        %get3A_234 = arith.constant 14 : i32
        %get3A_235 = arith.index_cast %get3A_234 : i32 to index
        %get3A_236 = arith.index_cast %mul3A_233 : i32 to index
        %get3A_237 = tpu.vector_load %arg5[%get3A_235, %get3A_236] {strides = array<i32>} : memref<16x1024xf32, #tpu.memory_space<vmem>>, vector<16xf32>,
        %swap3A_238 = arith.index_cast %scan3A_107 : i32 to index
        %swap3A_239 = arith.constant 224 : index
        %swap3A_240 = tpu.vector_load %arg7[%swap3A_238, %swap3A_239] {strides = array<i32>} : memref<64x256xf32, #tpu.memory_space<vmem>>, vector<16xf32>,
        tpu.vector_store %arg7[%swap3A_238, %swap3A_239], %get3A_237 {strides = array<i32>} : memref<64x256xf32, #tpu.memory_space<vmem>>, vector<16xf32>,
        %mul3A_241 = arith.constant 16 : i32
        %mul3A_242 = arith.muli %scan3A_107, %mul3A_241 : i32
        %get3A_243 = arith.constant 15 : i32
        %get3A_244 = arith.index_cast %get3A_243 : i32 to index
        %get3A_245 = arith.index_cast %mul3A_242 : i32 to index
        %get3A_246 = tpu.vector_load %arg5[%get3A_244, %get3A_245] {strides = array<i32>} : memref<16x1024xf32, #tpu.memory_space<vmem>>, vector<16xf32>,
        %swap3A_247 = arith.index_cast %scan3A_107 : i32 to index
        %swap3A_248 = arith.constant 240 : index
        %swap3A_249 = tpu.vector_load %arg7[%swap3A_247, %swap3A_248] {strides = array<i32>} : memref<64x256xf32, #tpu.memory_space<vmem>>, vector<16xf32>,
        tpu.vector_store %arg7[%swap3A_247, %swap3A_248], %get3A_246 {strides = array<i32>} : memref<64x256xf32, #tpu.memory_space<vmem>>, vector<16xf32>,
      }
      %scan3A_56 = arith.constant 64 : i32
      %mul3A_57 = arith.constant 6256 : i32
      %mul3A_58 = arith.muli %scan3A_31, %mul3A_57 : i32
      %mul3A_59 = arith.constant 64 : i32
      %mul3A_60 = arith.muli %scan3A_32, %mul3A_59 : i32
      %add3A_61 = arith.addi %mul3A_58, %mul3A_60 : i32
      "tpu.region"() ({
        %run_scoped3A = tpu.sem_alloc : memref<!tpu.dma_semaphore, #tpu.memory_space<semaphore_mem>>
        %dma_start3A_107 = arith.constant 0 : i32
        %dma_start3A_108 = tpu.memref_slice %arg4[%add3A_61, %dma_start3A_107] : memref<162656x256xf32, #tpu.memory_space<hbm>> -> memref<64x256xf32, #tpu.memory_space<hbm>>
        %dma_start3A_109 = arith.constant 0 : i32
        %dma_start3A_110 = tpu.memref_slice %arg4[%add3A_61, %dma_start3A_109] : memref<162656x256xf32, #tpu.memory_space<hbm>> -> memref<64x256xf32, #tpu.memory_space<hbm>>
        tpu.enqueue_dma source(%arg7 : memref<64x256xf32, #tpu.memory_space<vmem>>) target(%dma_start3A_110 : memref<64x256xf32, #tpu.memory_space<hbm>>) target_semaphore(%run_scoped3A : memref<!tpu.dma_semaphore, #tpu.memory_space<semaphore_mem>>)
        %dma_wait3A_111 = arith.constant 0 : i32
        %dma_wait3A_112 = tpu.memref_slice %arg4[%add3A_61, %dma_wait3A_111] : memref<162656x256xf32, #tpu.memory_space<hbm>> -> memref<64x256xf32, #tpu.memory_space<hbm>>
        %dma_wait3A_113 = arith.constant 0 : i32
        %dma_wait3A_114 = tpu.memref_slice %arg4[%add3A_61, %dma_wait3A_113] : memref<162656x256xf32, #tpu.memory_space<hbm>> -> memref<64x256xf32, #tpu.memory_space<hbm>>
        tpu.wait_dma2 semaphore(%run_scoped3A : memref<!tpu.dma_semaphore, #tpu.memory_space<semaphore_mem>>) src(%arg7 : memref<64x256xf32, #tpu.memory_space<vmem>>) dst(%dma_wait3A_114 : memref<64x256xf32, #tpu.memory_space<hbm>>)
        tpu.yield
      }) : () -> ()
      %add3A_62 = arith.constant 32 : i32
      %add3A_63 = arith.addi %scan3A_34, %add3A_62 : i32
      %ge3A_64 = arith.constant 97 : i32
      %ge3A_65 = arith.cmpi sge, %add3A_63, %ge3A_64 : i32
      %add3A_66 = arith.constant 1 : i32
      %add3A_67 = arith.addi %scan3A_33, %add3A_66 : i32
      %select_n3A_68 = arith.select %ge3A_65, %add3A_67, %scan3A_33 : i32
      %sub3A_69 = arith.constant 97 : i32
      %sub3A_70 = arith.subi %add3A_63, %sub3A_69 : i32
      %select_n3A_71 = arith.select %ge3A_65, %sub3A_70, %add3A_63 : i32
      %dma_wait3A_72 = arith.constant 0 : i32
      %dma_wait3A_73 = arith.constant 0 : i32
      %dma_wait3A_74 = arith.constant 0 : i32
      %dma_wait3A_75 = tpu.memref_slice %arg2[%dma_wait3A_72, %dma_wait3A_73, %dma_wait3A_74] : memref<26x16x100000xf32, #tpu.memory_space<hbm>> -> memref<1x16x1024xf32, #tpu.memory_space<hbm>>
      %dma_wait3A_76 = tpu.memref_squeeze %dma_wait3A_75 : memref<1x16x1024xf32, #tpu.memory_space<hbm>> -> memref<16x1024xf32, #tpu.memory_space<hbm>>
      %dma_wait3A_77 = arith.constant 0 : i32
      %dma_wait3A_78 = arith.constant 0 : i32
      %dma_wait3A_79 = tpu.memref_slice %arg2[%dma_wait3A_72, %dma_wait3A_77, %dma_wait3A_78] : memref<26x16x100000xf32, #tpu.memory_space<hbm>> -> memref<1x16x1024xf32, #tpu.memory_space<hbm>>
      %dma_wait3A_80 = tpu.memref_squeeze %dma_wait3A_79 : memref<1x16x1024xf32, #tpu.memory_space<hbm>> -> memref<16x1024xf32, #tpu.memory_space<hbm>>
      tpu.wait_dma2 semaphore(%arg10 : memref<!tpu.dma_semaphore, #tpu.memory_space<semaphore_mem>>) src(%dma_wait3A_80 : memref<16x1024xf32, #tpu.memory_space<hbm>>) dst(%arg6 : memref<16x1024xf32, #tpu.memory_space<vmem>>)
      %lt3A_81 = arith.constant 26 : i32
      %lt3A_82 = arith.cmpi slt, %select_n3A_68, %lt3A_81 : i32
      %convert_element_type3A_83 = arith.extui %lt3A_82 : i1 to i32
      %cond3A_84 = arith.constant 0 : i32
      %cond3A_85 = arith.cmpi ne, %convert_element_type3A_83, %cond3A_84 : i32
      scf.if %cond3A_85 {
        %mul3A_107 = arith.constant 1024 : i32
        %mul3A_108 = arith.muli %select_n3A_71, %mul3A_107 : i32
        %dma_start3A_109 = arith.constant 0 : i32
        %dma_start3A_110 = tpu.memref_slice %arg2[%select_n3A_68, %dma_start3A_109, %mul3A_108] : memref<26x16x100000xf32, #tpu.memory_space<hbm>> -> memref<1x16x1024xf32, #tpu.memory_space<hbm>>
        %dma_start3A_111 = tpu.memref_squeeze %dma_start3A_110 : memref<1x16x1024xf32, #tpu.memory_space<hbm>> -> memref<16x1024xf32, #tpu.memory_space<hbm>>
        %dma_start3A_112 = arith.constant 0 : i32
        %dma_start3A_113 = tpu.memref_slice %arg2[%select_n3A_68, %dma_start3A_112, %mul3A_108] : memref<26x16x100000xf32, #tpu.memory_space<hbm>> -> memref<1x16x1024xf32, #tpu.memory_space<hbm>>
        %dma_start3A_114 = tpu.memref_squeeze %dma_start3A_113 : memref<1x16x1024xf32, #tpu.memory_space<hbm>> -> memref<16x1024xf32, #tpu.memory_space<hbm>>
        tpu.enqueue_dma source(%dma_start3A_114 : memref<16x1024xf32, #tpu.memory_space<hbm>>) target(%arg5 : memref<16x1024xf32, #tpu.memory_space<vmem>>) target_semaphore(%arg9 : memref<!tpu.dma_semaphore, #tpu.memory_space<semaphore_mem>>)
      } else {
      }
      %scan3A_86 = arith.constant 0 : i32
      %scan3A_87 = arith.constant 0 : i32
      %scan3A_88 = arith.constant 64 : i32
      %scan3A_89 = arith.addi %scan3A_87, %scan3A_88 : i32
      %scan3A_90 = arith.constant 1 : i32
      scf.for %scan3A_107 = %scan3A_87 to %scan3A_89 step %scan3A_90  : i32 {
        %mul3A_108 = arith.constant 16 : i32
        %mul3A_109 = arith.muli %scan3A_107, %mul3A_108 : i32
        %get3A = arith.constant 0 : i32
        %get3A_110 = arith.index_cast %get3A : i32 to index
        %get3A_111 = arith.index_cast %mul3A_109 : i32 to index
        %get3A_112 = tpu.vector_load %arg6[%get3A_110, %get3A_111] {strides = array<i32>} : memref<16x1024xf32, #tpu.memory_space<vmem>>, vector<16xf32>,
        %swap3A = arith.index_cast %scan3A_107 : i32 to index
        %swap3A_113 = arith.constant 0 : index
        %swap3A_114 = tpu.vector_load %arg7[%swap3A, %swap3A_113] {strides = array<i32>} : memref<64x256xf32, #tpu.memory_space<vmem>>, vector<16xf32>,
        tpu.vector_store %arg7[%swap3A, %swap3A_113], %get3A_112 {strides = array<i32>} : memref<64x256xf32, #tpu.memory_space<vmem>>, vector<16xf32>,
        %mul3A_115 = arith.constant 16 : i32
        %mul3A_116 = arith.muli %scan3A_107, %mul3A_115 : i32
        %get3A_117 = arith.constant 1 : i32
        %get3A_118 = arith.index_cast %get3A_117 : i32 to index
        %get3A_119 = arith.index_cast %mul3A_116 : i32 to index
        %get3A_120 = tpu.vector_load %arg6[%get3A_118, %get3A_119] {strides = array<i32>} : memref<16x1024xf32, #tpu.memory_space<vmem>>, vector<16xf32>,
        %swap3A_121 = arith.index_cast %scan3A_107 : i32 to index
        %swap3A_122 = arith.constant 16 : index
        %swap3A_123 = tpu.vector_load %arg7[%swap3A_121, %swap3A_122] {strides = array<i32>} : memref<64x256xf32, #tpu.memory_space<vmem>>, vector<16xf32>,
        tpu.vector_store %arg7[%swap3A_121, %swap3A_122], %get3A_120 {strides = array<i32>} : memref<64x256xf32, #tpu.memory_space<vmem>>, vector<16xf32>,
        %mul3A_124 = arith.constant 16 : i32
        %mul3A_125 = arith.muli %scan3A_107, %mul3A_124 : i32
        %get3A_126 = arith.constant 2 : i32
        %get3A_127 = arith.index_cast %get3A_126 : i32 to index
        %get3A_128 = arith.index_cast %mul3A_125 : i32 to index
        %get3A_129 = tpu.vector_load %arg6[%get3A_127, %get3A_128] {strides = array<i32>} : memref<16x1024xf32, #tpu.memory_space<vmem>>, vector<16xf32>,
        %swap3A_130 = arith.index_cast %scan3A_107 : i32 to index
        %swap3A_131 = arith.constant 32 : index
        %swap3A_132 = tpu.vector_load %arg7[%swap3A_130, %swap3A_131] {strides = array<i32>} : memref<64x256xf32, #tpu.memory_space<vmem>>, vector<16xf32>,
        tpu.vector_store %arg7[%swap3A_130, %swap3A_131], %get3A_129 {strides = array<i32>} : memref<64x256xf32, #tpu.memory_space<vmem>>, vector<16xf32>,
        %mul3A_133 = arith.constant 16 : i32
        %mul3A_134 = arith.muli %scan3A_107, %mul3A_133 : i32
        %get3A_135 = arith.constant 3 : i32
        %get3A_136 = arith.index_cast %get3A_135 : i32 to index
        %get3A_137 = arith.index_cast %mul3A_134 : i32 to index
        %get3A_138 = tpu.vector_load %arg6[%get3A_136, %get3A_137] {strides = array<i32>} : memref<16x1024xf32, #tpu.memory_space<vmem>>, vector<16xf32>,
        %swap3A_139 = arith.index_cast %scan3A_107 : i32 to index
        %swap3A_140 = arith.constant 48 : index
        %swap3A_141 = tpu.vector_load %arg7[%swap3A_139, %swap3A_140] {strides = array<i32>} : memref<64x256xf32, #tpu.memory_space<vmem>>, vector<16xf32>,
        tpu.vector_store %arg7[%swap3A_139, %swap3A_140], %get3A_138 {strides = array<i32>} : memref<64x256xf32, #tpu.memory_space<vmem>>, vector<16xf32>,
        %mul3A_142 = arith.constant 16 : i32
        %mul3A_143 = arith.muli %scan3A_107, %mul3A_142 : i32
        %get3A_144 = arith.constant 4 : i32
        %get3A_145 = arith.index_cast %get3A_144 : i32 to index
        %get3A_146 = arith.index_cast %mul3A_143 : i32 to index
        %get3A_147 = tpu.vector_load %arg6[%get3A_145, %get3A_146] {strides = array<i32>} : memref<16x1024xf32, #tpu.memory_space<vmem>>, vector<16xf32>,
        %swap3A_148 = arith.index_cast %scan3A_107 : i32 to index
        %swap3A_149 = arith.constant 64 : index
        %swap3A_150 = tpu.vector_load %arg7[%swap3A_148, %swap3A_149] {strides = array<i32>} : memref<64x256xf32, #tpu.memory_space<vmem>>, vector<16xf32>,
        tpu.vector_store %arg7[%swap3A_148, %swap3A_149], %get3A_147 {strides = array<i32>} : memref<64x256xf32, #tpu.memory_space<vmem>>, vector<16xf32>,
        %mul3A_151 = arith.constant 16 : i32
        %mul3A_152 = arith.muli %scan3A_107, %mul3A_151 : i32
        %get3A_153 = arith.constant 5 : i32
        %get3A_154 = arith.index_cast %get3A_153 : i32 to index
        %get3A_155 = arith.index_cast %mul3A_152 : i32 to index
        %get3A_156 = tpu.vector_load %arg6[%get3A_154, %get3A_155] {strides = array<i32>} : memref<16x1024xf32, #tpu.memory_space<vmem>>, vector<16xf32>,
        %swap3A_157 = arith.index_cast %scan3A_107 : i32 to index
        %swap3A_158 = arith.constant 80 : index
        %swap3A_159 = tpu.vector_load %arg7[%swap3A_157, %swap3A_158] {strides = array<i32>} : memref<64x256xf32, #tpu.memory_space<vmem>>, vector<16xf32>,
        tpu.vector_store %arg7[%swap3A_157, %swap3A_158], %get3A_156 {strides = array<i32>} : memref<64x256xf32, #tpu.memory_space<vmem>>, vector<16xf32>,
        %mul3A_160 = arith.constant 16 : i32
        %mul3A_161 = arith.muli %scan3A_107, %mul3A_160 : i32
        %get3A_162 = arith.constant 6 : i32
        %get3A_163 = arith.index_cast %get3A_162 : i32 to index
        %get3A_164 = arith.index_cast %mul3A_161 : i32 to index
        %get3A_165 = tpu.vector_load %arg6[%get3A_163, %get3A_164] {strides = array<i32>} : memref<16x1024xf32, #tpu.memory_space<vmem>>, vector<16xf32>,
        %swap3A_166 = arith.index_cast %scan3A_107 : i32 to index
        %swap3A_167 = arith.constant 96 : index
        %swap3A_168 = tpu.vector_load %arg7[%swap3A_166, %swap3A_167] {strides = array<i32>} : memref<64x256xf32, #tpu.memory_space<vmem>>, vector<16xf32>,
        tpu.vector_store %arg7[%swap3A_166, %swap3A_167], %get3A_165 {strides = array<i32>} : memref<64x256xf32, #tpu.memory_space<vmem>>, vector<16xf32>,
        %mul3A_169 = arith.constant 16 : i32
        %mul3A_170 = arith.muli %scan3A_107, %mul3A_169 : i32
        %get3A_171 = arith.constant 7 : i32
        %get3A_172 = arith.index_cast %get3A_171 : i32 to index
        %get3A_173 = arith.index_cast %mul3A_170 : i32 to index
        %get3A_174 = tpu.vector_load %arg6[%get3A_172, %get3A_173] {strides = array<i32>} : memref<16x1024xf32, #tpu.memory_space<vmem>>, vector<16xf32>,
        %swap3A_175 = arith.index_cast %scan3A_107 : i32 to index
        %swap3A_176 = arith.constant 112 : index
        %swap3A_177 = tpu.vector_load %arg7[%swap3A_175, %swap3A_176] {strides = array<i32>} : memref<64x256xf32, #tpu.memory_space<vmem>>, vector<16xf32>,
        tpu.vector_store %arg7[%swap3A_175, %swap3A_176], %get3A_174 {strides = array<i32>} : memref<64x256xf32, #tpu.memory_space<vmem>>, vector<16xf32>,
        %mul3A_178 = arith.constant 16 : i32
        %mul3A_179 = arith.muli %scan3A_107, %mul3A_178 : i32
        %get3A_180 = arith.constant 8 : i32
        %get3A_181 = arith.index_cast %get3A_180 : i32 to index
        %get3A_182 = arith.index_cast %mul3A_179 : i32 to index
        %get3A_183 = tpu.vector_load %arg6[%get3A_181, %get3A_182] {strides = array<i32>} : memref<16x1024xf32, #tpu.memory_space<vmem>>, vector<16xf32>,
        %swap3A_184 = arith.index_cast %scan3A_107 : i32 to index
        %swap3A_185 = arith.constant 128 : index
        %swap3A_186 = tpu.vector_load %arg7[%swap3A_184, %swap3A_185] {strides = array<i32>} : memref<64x256xf32, #tpu.memory_space<vmem>>, vector<16xf32>,
        tpu.vector_store %arg7[%swap3A_184, %swap3A_185], %get3A_183 {strides = array<i32>} : memref<64x256xf32, #tpu.memory_space<vmem>>, vector<16xf32>,
        %mul3A_187 = arith.constant 16 : i32
        %mul3A_188 = arith.muli %scan3A_107, %mul3A_187 : i32
        %get3A_189 = arith.constant 9 : i32
        %get3A_190 = arith.index_cast %get3A_189 : i32 to index
        %get3A_191 = arith.index_cast %mul3A_188 : i32 to index
        %get3A_192 = tpu.vector_load %arg6[%get3A_190, %get3A_191] {strides = array<i32>} : memref<16x1024xf32, #tpu.memory_space<vmem>>, vector<16xf32>,
        %swap3A_193 = arith.index_cast %scan3A_107 : i32 to index
        %swap3A_194 = arith.constant 144 : index
        %swap3A_195 = tpu.vector_load %arg7[%swap3A_193, %swap3A_194] {strides = array<i32>} : memref<64x256xf32, #tpu.memory_space<vmem>>, vector<16xf32>,
        tpu.vector_store %arg7[%swap3A_193, %swap3A_194], %get3A_192 {strides = array<i32>} : memref<64x256xf32, #tpu.memory_space<vmem>>, vector<16xf32>,
        %mul3A_196 = arith.constant 16 : i32
        %mul3A_197 = arith.muli %scan3A_107, %mul3A_196 : i32
        %get3A_198 = arith.constant 10 : i32
        %get3A_199 = arith.index_cast %get3A_198 : i32 to index
        %get3A_200 = arith.index_cast %mul3A_197 : i32 to index
        %get3A_201 = tpu.vector_load %arg6[%get3A_199, %get3A_200] {strides = array<i32>} : memref<16x1024xf32, #tpu.memory_space<vmem>>, vector<16xf32>,
        %swap3A_202 = arith.index_cast %scan3A_107 : i32 to index
        %swap3A_203 = arith.constant 160 : index
        %swap3A_204 = tpu.vector_load %arg7[%swap3A_202, %swap3A_203] {strides = array<i32>} : memref<64x256xf32, #tpu.memory_space<vmem>>, vector<16xf32>,
        tpu.vector_store %arg7[%swap3A_202, %swap3A_203], %get3A_201 {strides = array<i32>} : memref<64x256xf32, #tpu.memory_space<vmem>>, vector<16xf32>,
        %mul3A_205 = arith.constant 16 : i32
        %mul3A_206 = arith.muli %scan3A_107, %mul3A_205 : i32
        %get3A_207 = arith.constant 11 : i32
        %get3A_208 = arith.index_cast %get3A_207 : i32 to index
        %get3A_209 = arith.index_cast %mul3A_206 : i32 to index
        %get3A_210 = tpu.vector_load %arg6[%get3A_208, %get3A_209] {strides = array<i32>} : memref<16x1024xf32, #tpu.memory_space<vmem>>, vector<16xf32>,
        %swap3A_211 = arith.index_cast %scan3A_107 : i32 to index
        %swap3A_212 = arith.constant 176 : index
        %swap3A_213 = tpu.vector_load %arg7[%swap3A_211, %swap3A_212] {strides = array<i32>} : memref<64x256xf32, #tpu.memory_space<vmem>>, vector<16xf32>,
        tpu.vector_store %arg7[%swap3A_211, %swap3A_212], %get3A_210 {strides = array<i32>} : memref<64x256xf32, #tpu.memory_space<vmem>>, vector<16xf32>,
        %mul3A_214 = arith.constant 16 : i32
        %mul3A_215 = arith.muli %scan3A_107, %mul3A_214 : i32
        %get3A_216 = arith.constant 12 : i32
        %get3A_217 = arith.index_cast %get3A_216 : i32 to index
        %get3A_218 = arith.index_cast %mul3A_215 : i32 to index
        %get3A_219 = tpu.vector_load %arg6[%get3A_217, %get3A_218] {strides = array<i32>} : memref<16x1024xf32, #tpu.memory_space<vmem>>, vector<16xf32>,
        %swap3A_220 = arith.index_cast %scan3A_107 : i32 to index
        %swap3A_221 = arith.constant 192 : index
        %swap3A_222 = tpu.vector_load %arg7[%swap3A_220, %swap3A_221] {strides = array<i32>} : memref<64x256xf32, #tpu.memory_space<vmem>>, vector<16xf32>,
        tpu.vector_store %arg7[%swap3A_220, %swap3A_221], %get3A_219 {strides = array<i32>} : memref<64x256xf32, #tpu.memory_space<vmem>>, vector<16xf32>,
        %mul3A_223 = arith.constant 16 : i32
        %mul3A_224 = arith.muli %scan3A_107, %mul3A_223 : i32
        %get3A_225 = arith.constant 13 : i32
        %get3A_226 = arith.index_cast %get3A_225 : i32 to index
        %get3A_227 = arith.index_cast %mul3A_224 : i32 to index
        %get3A_228 = tpu.vector_load %arg6[%get3A_226, %get3A_227] {strides = array<i32>} : memref<16x1024xf32, #tpu.memory_space<vmem>>, vector<16xf32>,
        %swap3A_229 = arith.index_cast %scan3A_107 : i32 to index
        %swap3A_230 = arith.constant 208 : index
        %swap3A_231 = tpu.vector_load %arg7[%swap3A_229, %swap3A_230] {strides = array<i32>} : memref<64x256xf32, #tpu.memory_space<vmem>>, vector<16xf32>,
        tpu.vector_store %arg7[%swap3A_229, %swap3A_230], %get3A_228 {strides = array<i32>} : memref<64x256xf32, #tpu.memory_space<vmem>>, vector<16xf32>,
        %mul3A_232 = arith.constant 16 : i32
        %mul3A_233 = arith.muli %scan3A_107, %mul3A_232 : i32
        %get3A_234 = arith.constant 14 : i32
        %get3A_235 = arith.index_cast %get3A_234 : i32 to index
        %get3A_236 = arith.index_cast %mul3A_233 : i32 to index
        %get3A_237 = tpu.vector_load %arg6[%get3A_235, %get3A_236] {strides = array<i32>} : memref<16x1024xf32, #tpu.memory_space<vmem>>, vector<16xf32>,
        %swap3A_238 = arith.index_cast %scan3A_107 : i32 to index
        %swap3A_239 = arith.constant 224 : index
        %swap3A_240 = tpu.vector_load %arg7[%swap3A_238, %swap3A_239] {strides = array<i32>} : memref<64x256xf32, #tpu.memory_space<vmem>>, vector<16xf32>,
        tpu.vector_store %arg7[%swap3A_238, %swap3A_239], %get3A_237 {strides = array<i32>} : memref<64x256xf32, #tpu.memory_space<vmem>>, vector<16xf32>,
        %mul3A_241 = arith.constant 16 : i32
        %mul3A_242 = arith.muli %scan3A_107, %mul3A_241 : i32
        %get3A_243 = arith.constant 15 : i32
        %get3A_244 = arith.index_cast %get3A_243 : i32 to index
        %get3A_245 = arith.index_cast %mul3A_242 : i32 to index
        %get3A_246 = tpu.vector_load %arg6[%get3A_244, %get3A_245] {strides = array<i32>} : memref<16x1024xf32, #tpu.memory_space<vmem>>, vector<16xf32>,
        %swap3A_247 = arith.index_cast %scan3A_107 : i32 to index
        %swap3A_248 = arith.constant 240 : index
        %swap3A_249 = tpu.vector_load %arg7[%swap3A_247, %swap3A_248] {strides = array<i32>} : memref<64x256xf32, #tpu.memory_space<vmem>>, vector<16xf32>,
        tpu.vector_store %arg7[%swap3A_247, %swap3A_248], %get3A_246 {strides = array<i32>} : memref<64x256xf32, #tpu.memory_space<vmem>>, vector<16xf32>,
      }
      %scan3A_91 = arith.constant 64 : i32
      %mul3A_92 = arith.constant 6256 : i32
      %mul3A_93 = arith.muli %scan3A_33, %mul3A_92 : i32
      %mul3A_94 = arith.constant 64 : i32
      %mul3A_95 = arith.muli %scan3A_34, %mul3A_94 : i32
      %add3A_96 = arith.addi %mul3A_93, %mul3A_95 : i32
      "tpu.region"() ({
        %run_scoped3A = tpu.sem_alloc : memref<!tpu.dma_semaphore, #tpu.memory_space<semaphore_mem>>
        %dma_start3A_107 = arith.constant 0 : i32
        %dma_start3A_108 = tpu.memref_slice %arg4[%add3A_96, %dma_start3A_107] : memref<162656x256xf32, #tpu.memory_space<hbm>> -> memref<64x256xf32, #tpu.memory_space<hbm>>
        %dma_start3A_109 = arith.constant 0 : i32
        %dma_start3A_110 = tpu.memref_slice %arg4[%add3A_96, %dma_start3A_109] : memref<162656x256xf32, #tpu.memory_space<hbm>> -> memref<64x256xf32, #tpu.memory_space<hbm>>
        tpu.enqueue_dma source(%arg7 : memref<64x256xf32, #tpu.memory_space<vmem>>) target(%dma_start3A_110 : memref<64x256xf32, #tpu.memory_space<hbm>>) target_semaphore(%run_scoped3A : memref<!tpu.dma_semaphore, #tpu.memory_space<semaphore_mem>>)
        %dma_wait3A_111 = arith.constant 0 : i32
        %dma_wait3A_112 = tpu.memref_slice %arg4[%add3A_96, %dma_wait3A_111] : memref<162656x256xf32, #tpu.memory_space<hbm>> -> memref<64x256xf32, #tpu.memory_space<hbm>>
        %dma_wait3A_113 = arith.constant 0 : i32
        %dma_wait3A_114 = tpu.memref_slice %arg4[%add3A_96, %dma_wait3A_113] : memref<162656x256xf32, #tpu.memory_space<hbm>> -> memref<64x256xf32, #tpu.memory_space<hbm>>
        tpu.wait_dma2 semaphore(%run_scoped3A : memref<!tpu.dma_semaphore, #tpu.memory_space<semaphore_mem>>) src(%arg7 : memref<64x256xf32, #tpu.memory_space<vmem>>) dst(%dma_wait3A_114 : memref<64x256xf32, #tpu.memory_space<hbm>>)
        tpu.yield
      }) : () -> ()
      %add3A_97 = arith.constant 32 : i32
      %add3A_98 = arith.addi %select_n3A_71, %add3A_97 : i32
      %ge3A_99 = arith.constant 97 : i32
      %ge3A_100 = arith.cmpi sge, %add3A_98, %ge3A_99 : i32
      %add3A_101 = arith.constant 1 : i32
      %add3A_102 = arith.addi %select_n3A_68, %add3A_101 : i32
      %select_n3A_103 = arith.select %ge3A_100, %add3A_102, %select_n3A_68 : i32
      %sub3A_104 = arith.constant 97 : i32
      %sub3A_105 = arith.subi %add3A_98, %sub3A_104 : i32
      %select_n3A_106 = arith.select %ge3A_100, %sub3A_105, %add3A_98 : i32
      scf.yield %select_n3A_68, %select_n3A_71, %select_n3A_103, %select_n3A_106 : i32, i32, i32, i32
    }
    %scan3A_24 = arith.constant 39 : i32
    %lt3A_25 = arith.constant 26 : i32
    %lt3A_26 = arith.cmpi slt, %scan3A_23#0, %lt3A_25 : i32
    %convert_element_type3A_27 = arith.extui %lt3A_26 : i1 to i32
    %cond3A_28 = arith.constant 0 : i32
    %cond3A_29 = arith.cmpi ne, %convert_element_type3A_27, %cond3A_28 : i32
    scf.if %cond3A_29 {
      %dma_wait3A = arith.constant 0 : i32
      %dma_wait3A_30 = arith.constant 0 : i32
      %dma_wait3A_31 = arith.constant 0 : i32
      %dma_wait3A_32 = tpu.memref_slice %arg2[%dma_wait3A, %dma_wait3A_30, %dma_wait3A_31] : memref<26x16x100000xf32, #tpu.memory_space<hbm>> -> memref<1x16x1024xf32, #tpu.memory_space<hbm>>
      %dma_wait3A_33 = tpu.memref_squeeze %dma_wait3A_32 : memref<1x16x1024xf32, #tpu.memory_space<hbm>> -> memref<16x1024xf32, #tpu.memory_space<hbm>>
      %dma_wait3A_34 = arith.constant 0 : i32
      %dma_wait3A_35 = arith.constant 0 : i32
      %dma_wait3A_36 = tpu.memref_slice %arg2[%dma_wait3A, %dma_wait3A_34, %dma_wait3A_35] : memref<26x16x100000xf32, #tpu.memory_space<hbm>> -> memref<1x16x1024xf32, #tpu.memory_space<hbm>>
      %dma_wait3A_37 = tpu.memref_squeeze %dma_wait3A_36 : memref<1x16x1024xf32, #tpu.memory_space<hbm>> -> memref<16x1024xf32, #tpu.memory_space<hbm>>
      tpu.wait_dma2 semaphore(%arg9 : memref<!tpu.dma_semaphore, #tpu.memory_space<semaphore_mem>>) src(%dma_wait3A_37 : memref<16x1024xf32, #tpu.memory_space<hbm>>) dst(%arg5 : memref<16x1024xf32, #tpu.memory_space<vmem>>)
      %scan3A_38 = arith.constant 0 : i32
      %scan3A_39 = arith.constant 0 : i32
      %scan3A_40 = arith.constant 64 : i32
      %scan3A_41 = arith.addi %scan3A_39, %scan3A_40 : i32
      %scan3A_42 = arith.constant 1 : i32
      scf.for %scan3A_49 = %scan3A_39 to %scan3A_41 step %scan3A_42  : i32 {
        %mul3A_50 = arith.constant 16 : i32
        %mul3A_51 = arith.muli %scan3A_49, %mul3A_50 : i32
        %get3A = arith.constant 0 : i32
        %get3A_52 = arith.index_cast %get3A : i32 to index
        %get3A_53 = arith.index_cast %mul3A_51 : i32 to index
        %get3A_54 = tpu.vector_load %arg5[%get3A_52, %get3A_53] {strides = array<i32>} : memref<16x1024xf32, #tpu.memory_space<vmem>>, vector<16xf32>,
        %swap3A = arith.index_cast %scan3A_49 : i32 to index
        %swap3A_55 = arith.constant 0 : index
        %swap3A_56 = tpu.vector_load %arg7[%swap3A, %swap3A_55] {strides = array<i32>} : memref<64x256xf32, #tpu.memory_space<vmem>>, vector<16xf32>,
        tpu.vector_store %arg7[%swap3A, %swap3A_55], %get3A_54 {strides = array<i32>} : memref<64x256xf32, #tpu.memory_space<vmem>>, vector<16xf32>,
        %mul3A_57 = arith.constant 16 : i32
        %mul3A_58 = arith.muli %scan3A_49, %mul3A_57 : i32
        %get3A_59 = arith.constant 1 : i32
        %get3A_60 = arith.index_cast %get3A_59 : i32 to index
        %get3A_61 = arith.index_cast %mul3A_58 : i32 to index
        %get3A_62 = tpu.vector_load %arg5[%get3A_60, %get3A_61] {strides = array<i32>} : memref<16x1024xf32, #tpu.memory_space<vmem>>, vector<16xf32>,
        %swap3A_63 = arith.index_cast %scan3A_49 : i32 to index
        %swap3A_64 = arith.constant 16 : index
        %swap3A_65 = tpu.vector_load %arg7[%swap3A_63, %swap3A_64] {strides = array<i32>} : memref<64x256xf32, #tpu.memory_space<vmem>>, vector<16xf32>,
        tpu.vector_store %arg7[%swap3A_63, %swap3A_64], %get3A_62 {strides = array<i32>} : memref<64x256xf32, #tpu.memory_space<vmem>>, vector<16xf32>,
        %mul3A_66 = arith.constant 16 : i32
        %mul3A_67 = arith.muli %scan3A_49, %mul3A_66 : i32
        %get3A_68 = arith.constant 2 : i32
        %get3A_69 = arith.index_cast %get3A_68 : i32 to index
        %get3A_70 = arith.index_cast %mul3A_67 : i32 to index
        %get3A_71 = tpu.vector_load %arg5[%get3A_69, %get3A_70] {strides = array<i32>} : memref<16x1024xf32, #tpu.memory_space<vmem>>, vector<16xf32>,
        %swap3A_72 = arith.index_cast %scan3A_49 : i32 to index
        %swap3A_73 = arith.constant 32 : index
        %swap3A_74 = tpu.vector_load %arg7[%swap3A_72, %swap3A_73] {strides = array<i32>} : memref<64x256xf32, #tpu.memory_space<vmem>>, vector<16xf32>,
        tpu.vector_store %arg7[%swap3A_72, %swap3A_73], %get3A_71 {strides = array<i32>} : memref<64x256xf32, #tpu.memory_space<vmem>>, vector<16xf32>,
        %mul3A_75 = arith.constant 16 : i32
        %mul3A_76 = arith.muli %scan3A_49, %mul3A_75 : i32
        %get3A_77 = arith.constant 3 : i32
        %get3A_78 = arith.index_cast %get3A_77 : i32 to index
        %get3A_79 = arith.index_cast %mul3A_76 : i32 to index
        %get3A_80 = tpu.vector_load %arg5[%get3A_78, %get3A_79] {strides = array<i32>} : memref<16x1024xf32, #tpu.memory_space<vmem>>, vector<16xf32>,
        %swap3A_81 = arith.index_cast %scan3A_49 : i32 to index
        %swap3A_82 = arith.constant 48 : index
        %swap3A_83 = tpu.vector_load %arg7[%swap3A_81, %swap3A_82] {strides = array<i32>} : memref<64x256xf32, #tpu.memory_space<vmem>>, vector<16xf32>,
        tpu.vector_store %arg7[%swap3A_81, %swap3A_82], %get3A_80 {strides = array<i32>} : memref<64x256xf32, #tpu.memory_space<vmem>>, vector<16xf32>,
        %mul3A_84 = arith.constant 16 : i32
        %mul3A_85 = arith.muli %scan3A_49, %mul3A_84 : i32
        %get3A_86 = arith.constant 4 : i32
        %get3A_87 = arith.index_cast %get3A_86 : i32 to index
        %get3A_88 = arith.index_cast %mul3A_85 : i32 to index
        %get3A_89 = tpu.vector_load %arg5[%get3A_87, %get3A_88] {strides = array<i32>} : memref<16x1024xf32, #tpu.memory_space<vmem>>, vector<16xf32>,
        %swap3A_90 = arith.index_cast %scan3A_49 : i32 to index
        %swap3A_91 = arith.constant 64 : index
        %swap3A_92 = tpu.vector_load %arg7[%swap3A_90, %swap3A_91] {strides = array<i32>} : memref<64x256xf32, #tpu.memory_space<vmem>>, vector<16xf32>,
        tpu.vector_store %arg7[%swap3A_90, %swap3A_91], %get3A_89 {strides = array<i32>} : memref<64x256xf32, #tpu.memory_space<vmem>>, vector<16xf32>,
        %mul3A_93 = arith.constant 16 : i32
        %mul3A_94 = arith.muli %scan3A_49, %mul3A_93 : i32
        %get3A_95 = arith.constant 5 : i32
        %get3A_96 = arith.index_cast %get3A_95 : i32 to index
        %get3A_97 = arith.index_cast %mul3A_94 : i32 to index
        %get3A_98 = tpu.vector_load %arg5[%get3A_96, %get3A_97] {strides = array<i32>} : memref<16x1024xf32, #tpu.memory_space<vmem>>, vector<16xf32>,
        %swap3A_99 = arith.index_cast %scan3A_49 : i32 to index
        %swap3A_100 = arith.constant 80 : index
        %swap3A_101 = tpu.vector_load %arg7[%swap3A_99, %swap3A_100] {strides = array<i32>} : memref<64x256xf32, #tpu.memory_space<vmem>>, vector<16xf32>,
        tpu.vector_store %arg7[%swap3A_99, %swap3A_100], %get3A_98 {strides = array<i32>} : memref<64x256xf32, #tpu.memory_space<vmem>>, vector<16xf32>,
        %mul3A_102 = arith.constant 16 : i32
        %mul3A_103 = arith.muli %scan3A_49, %mul3A_102 : i32
        %get3A_104 = arith.constant 6 : i32
        %get3A_105 = arith.index_cast %get3A_104 : i32 to index
        %get3A_106 = arith.index_cast %mul3A_103 : i32 to index
        %get3A_107 = tpu.vector_load %arg5[%get3A_105, %get3A_106] {strides = array<i32>} : memref<16x1024xf32, #tpu.memory_space<vmem>>, vector<16xf32>,
        %swap3A_108 = arith.index_cast %scan3A_49 : i32 to index
        %swap3A_109 = arith.constant 96 : index
        %swap3A_110 = tpu.vector_load %arg7[%swap3A_108, %swap3A_109] {strides = array<i32>} : memref<64x256xf32, #tpu.memory_space<vmem>>, vector<16xf32>,
        tpu.vector_store %arg7[%swap3A_108, %swap3A_109], %get3A_107 {strides = array<i32>} : memref<64x256xf32, #tpu.memory_space<vmem>>, vector<16xf32>,
        %mul3A_111 = arith.constant 16 : i32
        %mul3A_112 = arith.muli %scan3A_49, %mul3A_111 : i32
        %get3A_113 = arith.constant 7 : i32
        %get3A_114 = arith.index_cast %get3A_113 : i32 to index
        %get3A_115 = arith.index_cast %mul3A_112 : i32 to index
        %get3A_116 = tpu.vector_load %arg5[%get3A_114, %get3A_115] {strides = array<i32>} : memref<16x1024xf32, #tpu.memory_space<vmem>>, vector<16xf32>,
        %swap3A_117 = arith.index_cast %scan3A_49 : i32 to index
        %swap3A_118 = arith.constant 112 : index
        %swap3A_119 = tpu.vector_load %arg7[%swap3A_117, %swap3A_118] {strides = array<i32>} : memref<64x256xf32, #tpu.memory_space<vmem>>, vector<16xf32>,
        tpu.vector_store %arg7[%swap3A_117, %swap3A_118], %get3A_116 {strides = array<i32>} : memref<64x256xf32, #tpu.memory_space<vmem>>, vector<16xf32>,
        %mul3A_120 = arith.constant 16 : i32
        %mul3A_121 = arith.muli %scan3A_49, %mul3A_120 : i32
        %get3A_122 = arith.constant 8 : i32
        %get3A_123 = arith.index_cast %get3A_122 : i32 to index
        %get3A_124 = arith.index_cast %mul3A_121 : i32 to index
        %get3A_125 = tpu.vector_load %arg5[%get3A_123, %get3A_124] {strides = array<i32>} : memref<16x1024xf32, #tpu.memory_space<vmem>>, vector<16xf32>,
        %swap3A_126 = arith.index_cast %scan3A_49 : i32 to index
        %swap3A_127 = arith.constant 128 : index
        %swap3A_128 = tpu.vector_load %arg7[%swap3A_126, %swap3A_127] {strides = array<i32>} : memref<64x256xf32, #tpu.memory_space<vmem>>, vector<16xf32>,
        tpu.vector_store %arg7[%swap3A_126, %swap3A_127], %get3A_125 {strides = array<i32>} : memref<64x256xf32, #tpu.memory_space<vmem>>, vector<16xf32>,
        %mul3A_129 = arith.constant 16 : i32
        %mul3A_130 = arith.muli %scan3A_49, %mul3A_129 : i32
        %get3A_131 = arith.constant 9 : i32
        %get3A_132 = arith.index_cast %get3A_131 : i32 to index
        %get3A_133 = arith.index_cast %mul3A_130 : i32 to index
        %get3A_134 = tpu.vector_load %arg5[%get3A_132, %get3A_133] {strides = array<i32>} : memref<16x1024xf32, #tpu.memory_space<vmem>>, vector<16xf32>,
        %swap3A_135 = arith.index_cast %scan3A_49 : i32 to index
        %swap3A_136 = arith.constant 144 : index
        %swap3A_137 = tpu.vector_load %arg7[%swap3A_135, %swap3A_136] {strides = array<i32>} : memref<64x256xf32, #tpu.memory_space<vmem>>, vector<16xf32>,
        tpu.vector_store %arg7[%swap3A_135, %swap3A_136], %get3A_134 {strides = array<i32>} : memref<64x256xf32, #tpu.memory_space<vmem>>, vector<16xf32>,
        %mul3A_138 = arith.constant 16 : i32
        %mul3A_139 = arith.muli %scan3A_49, %mul3A_138 : i32
        %get3A_140 = arith.constant 10 : i32
        %get3A_141 = arith.index_cast %get3A_140 : i32 to index
        %get3A_142 = arith.index_cast %mul3A_139 : i32 to index
        %get3A_143 = tpu.vector_load %arg5[%get3A_141, %get3A_142] {strides = array<i32>} : memref<16x1024xf32, #tpu.memory_space<vmem>>, vector<16xf32>,
        %swap3A_144 = arith.index_cast %scan3A_49 : i32 to index
        %swap3A_145 = arith.constant 160 : index
        %swap3A_146 = tpu.vector_load %arg7[%swap3A_144, %swap3A_145] {strides = array<i32>} : memref<64x256xf32, #tpu.memory_space<vmem>>, vector<16xf32>,
        tpu.vector_store %arg7[%swap3A_144, %swap3A_145], %get3A_143 {strides = array<i32>} : memref<64x256xf32, #tpu.memory_space<vmem>>, vector<16xf32>,
        %mul3A_147 = arith.constant 16 : i32
        %mul3A_148 = arith.muli %scan3A_49, %mul3A_147 : i32
        %get3A_149 = arith.constant 11 : i32
        %get3A_150 = arith.index_cast %get3A_149 : i32 to index
        %get3A_151 = arith.index_cast %mul3A_148 : i32 to index
        %get3A_152 = tpu.vector_load %arg5[%get3A_150, %get3A_151] {strides = array<i32>} : memref<16x1024xf32, #tpu.memory_space<vmem>>, vector<16xf32>,
        %swap3A_153 = arith.index_cast %scan3A_49 : i32 to index
        %swap3A_154 = arith.constant 176 : index
        %swap3A_155 = tpu.vector_load %arg7[%swap3A_153, %swap3A_154] {strides = array<i32>} : memref<64x256xf32, #tpu.memory_space<vmem>>, vector<16xf32>,
        tpu.vector_store %arg7[%swap3A_153, %swap3A_154], %get3A_152 {strides = array<i32>} : memref<64x256xf32, #tpu.memory_space<vmem>>, vector<16xf32>,
        %mul3A_156 = arith.constant 16 : i32
        %mul3A_157 = arith.muli %scan3A_49, %mul3A_156 : i32
        %get3A_158 = arith.constant 12 : i32
        %get3A_159 = arith.index_cast %get3A_158 : i32 to index
        %get3A_160 = arith.index_cast %mul3A_157 : i32 to index
        %get3A_161 = tpu.vector_load %arg5[%get3A_159, %get3A_160] {strides = array<i32>} : memref<16x1024xf32, #tpu.memory_space<vmem>>, vector<16xf32>,
        %swap3A_162 = arith.index_cast %scan3A_49 : i32 to index
        %swap3A_163 = arith.constant 192 : index
        %swap3A_164 = tpu.vector_load %arg7[%swap3A_162, %swap3A_163] {strides = array<i32>} : memref<64x256xf32, #tpu.memory_space<vmem>>, vector<16xf32>,
        tpu.vector_store %arg7[%swap3A_162, %swap3A_163], %get3A_161 {strides = array<i32>} : memref<64x256xf32, #tpu.memory_space<vmem>>, vector<16xf32>,
        %mul3A_165 = arith.constant 16 : i32
        %mul3A_166 = arith.muli %scan3A_49, %mul3A_165 : i32
        %get3A_167 = arith.constant 13 : i32
        %get3A_168 = arith.index_cast %get3A_167 : i32 to index
        %get3A_169 = arith.index_cast %mul3A_166 : i32 to index
        %get3A_170 = tpu.vector_load %arg5[%get3A_168, %get3A_169] {strides = array<i32>} : memref<16x1024xf32, #tpu.memory_space<vmem>>, vector<16xf32>,
        %swap3A_171 = arith.index_cast %scan3A_49 : i32 to index
        %swap3A_172 = arith.constant 208 : index
        %swap3A_173 = tpu.vector_load %arg7[%swap3A_171, %swap3A_172] {strides = array<i32>} : memref<64x256xf32, #tpu.memory_space<vmem>>, vector<16xf32>,
        tpu.vector_store %arg7[%swap3A_171, %swap3A_172], %get3A_170 {strides = array<i32>} : memref<64x256xf32, #tpu.memory_space<vmem>>, vector<16xf32>,
        %mul3A_174 = arith.constant 16 : i32
        %mul3A_175 = arith.muli %scan3A_49, %mul3A_174 : i32
        %get3A_176 = arith.constant 14 : i32
        %get3A_177 = arith.index_cast %get3A_176 : i32 to index
        %get3A_178 = arith.index_cast %mul3A_175 : i32 to index
        %get3A_179 = tpu.vector_load %arg5[%get3A_177, %get3A_178] {strides = array<i32>} : memref<16x1024xf32, #tpu.memory_space<vmem>>, vector<16xf32>,
        %swap3A_180 = arith.index_cast %scan3A_49 : i32 to index
        %swap3A_181 = arith.constant 224 : index
        %swap3A_182 = tpu.vector_load %arg7[%swap3A_180, %swap3A_181] {strides = array<i32>} : memref<64x256xf32, #tpu.memory_space<vmem>>, vector<16xf32>,
        tpu.vector_store %arg7[%swap3A_180, %swap3A_181], %get3A_179 {strides = array<i32>} : memref<64x256xf32, #tpu.memory_space<vmem>>, vector<16xf32>,
        %mul3A_183 = arith.constant 16 : i32
        %mul3A_184 = arith.muli %scan3A_49, %mul3A_183 : i32
        %get3A_185 = arith.constant 15 : i32
        %get3A_186 = arith.index_cast %get3A_185 : i32 to index
        %get3A_187 = arith.index_cast %mul3A_184 : i32 to index
        %get3A_188 = tpu.vector_load %arg5[%get3A_186, %get3A_187] {strides = array<i32>} : memref<16x1024xf32, #tpu.memory_space<vmem>>, vector<16xf32>,
        %swap3A_189 = arith.index_cast %scan3A_49 : i32 to index
        %swap3A_190 = arith.constant 240 : index
        %swap3A_191 = tpu.vector_load %arg7[%swap3A_189, %swap3A_190] {strides = array<i32>} : memref<64x256xf32, #tpu.memory_space<vmem>>, vector<16xf32>,
        tpu.vector_store %arg7[%swap3A_189, %swap3A_190], %get3A_188 {strides = array<i32>} : memref<64x256xf32, #tpu.memory_space<vmem>>, vector<16xf32>,
      }
      %scan3A_43 = arith.constant 64 : i32
      %mul3A_44 = arith.constant 6256 : i32
      %mul3A_45 = arith.muli %scan3A_23#0, %mul3A_44 : i32
      %mul3A_46 = arith.constant 64 : i32
      %mul3A_47 = arith.muli %scan3A_23#1, %mul3A_46 : i32
      %add3A_48 = arith.addi %mul3A_45, %mul3A_47 : i32
      "tpu.region"() ({
        %run_scoped3A = tpu.sem_alloc : memref<!tpu.dma_semaphore, #tpu.memory_space<semaphore_mem>>
        %dma_start3A_49 = arith.constant 0 : i32
        %dma_start3A_50 = tpu.memref_slice %arg4[%add3A_48, %dma_start3A_49] : memref<162656x256xf32, #tpu.memory_space<hbm>> -> memref<64x256xf32, #tpu.memory_space<hbm>>
        %dma_start3A_51 = arith.constant 0 : i32
        %dma_start3A_52 = tpu.memref_slice %arg4[%add3A_48, %dma_start3A_51] : memref<162656x256xf32, #tpu.memory_space<hbm>> -> memref<64x256xf32, #tpu.memory_space<hbm>>
        tpu.enqueue_dma source(%arg7 : memref<64x256xf32, #tpu.memory_space<vmem>>) target(%dma_start3A_52 : memref<64x256xf32, #tpu.memory_space<hbm>>) target_semaphore(%run_scoped3A : memref<!tpu.dma_semaphore, #tpu.memory_space<semaphore_mem>>)
        %dma_wait3A_53 = arith.constant 0 : i32
        %dma_wait3A_54 = tpu.memref_slice %arg4[%add3A_48, %dma_wait3A_53] : memref<162656x256xf32, #tpu.memory_space<hbm>> -> memref<64x256xf32, #tpu.memory_space<hbm>>
        %dma_wait3A_55 = arith.constant 0 : i32
        %dma_wait3A_56 = tpu.memref_slice %arg4[%add3A_48, %dma_wait3A_55] : memref<162656x256xf32, #tpu.memory_space<hbm>> -> memref<64x256xf32, #tpu.memory_space<hbm>>
        tpu.wait_dma2 semaphore(%run_scoped3A : memref<!tpu.dma_semaphore, #tpu.memory_space<semaphore_mem>>) src(%arg7 : memref<64x256xf32, #tpu.memory_space<vmem>>) dst(%dma_wait3A_56 : memref<64x256xf32, #tpu.memory_space<hbm>>)
        tpu.yield
      }) : () -> ()
    } else {
    }
    return
  }
}

</mosaic_0001>

<sc_bundles>
// kernel: _sc_transpose.3.cloned.1.call-start
scs
__scs_entry_jumppad:
0x0: {  	(pc) =	sbr.rel $0x88, $3  }
0x1: {  	(tag) =	ssettag $0x0;
	lr =	simm.s32 $0x1  }
0x2: {  	[smem:$0x3F9F] =	sst lr;
	_ =	strace $0xD0000000  }
0x3: {  	_ = 	snop  }
0x4: {  	_ = 	snop  }
0x5: {  	_ = 	snop  }
0x6: {  	_ = 	snop  }
0x7: {  	_ = 	snop  }
__scs_overlays_trampoline_lowered:
0x8: {  	[smem:$0x3FAE] =	sst s0  }
0x9: {  	[smem:$0x3FAF] =	sst s1  }
0xa: {  	[smem:$0x3FB0] =	sst s2  }
0xb: {  	[smem:$0x3FB1] =	sst s3  }
0xc: {  	[smem:$0x3FB2] =	sst s4  }
0xd: {  	[smem:$0x3FB3] =	sst s5  }
0xe: {  	[smem:$0x3FB4] =	sst s6  }
0xf: {  	[smem:$0x3FB5] =	sst s7  }
0x10: {  	[smem:$0x3FB6] =	sst s8  }
0x11: {  	[smem:$0x3FB7] =	sst s9;
	s0 =	simm.s32 @!p0 $0x0  }
0x12: {  	s1 =	sld [smem:$0x3F9D];
	s0 =	simm.s32 @p0 $0x1  }
0x13: {  	[smem:$0x3FB8] =	sst s0;
	s0 =	simm.s32 @!p1 $0x0  }
0x14: {  	s2 =	sld [smem:$0x3F9C];
	s0 =	simm.s32 @p1 $0x1  }
0x15: {  	[smem:$0x3FB9] =	sst s0;
	s0 =	simm.s32 @!p2 $0x0  }
0x16: {  	s3 =	sld [smem:$0x3FDB];
	s0 =	simm.s32 @p2 $0x1  }
0x17: {  	s4 =	simm.s32 $0x1BF5;
	[smem:$0x3FBB] =	sst s0  }
0x18: {  	s0 =	sld [smem:$0x3F9E];
	_ =	swait.ge [sflag:s4], $0x0  }
0x19: {  	s7 =	sld [smem:$0x3F9F]  }
0x1a: {  	s8 =	sadd.s32 $0xFFFFE003, lr  }
0x1b: {  	s9 =	sadd.s32 $0xFFFFFEF7, lr;
	s5 =	simm.s32 $0xFFFFFFFF;
	p2 =	slt.u32 s8, $0xFFFFF086  }
0x1c: {  	p1 =	slt.u32 s9, $0xF7A;
	s5 =	simm.s32 @!p2 $0x0  }
0x1d: {  	s5 =	simm.s32 @p1 $0x1;
	p0 =	seq.s32 s7, s2  }
0x1e: {  	s7 =	smul.u32 @!p0 $0xF7A, s2;
	p2 =	seq.s32 @!p0 s5, $0x0  }
0x1f: {  	s9 =	smul.u32 $0xF7A, s1;
	s8 =	simm.s32 @!p0 $0x1BF5;
	p2 =	por !p2, p0  }
0x20: {  	[sflag:s8] =	ssyncset.s32 @!p0 $0xFFFFF086;
	s6 =	sadd.s32 @!p0 s3, s7;
	s7 =	simm.s32 @!p0 $0x108  }
0x21: {  	s3 =	sadd.s32 s3, s9;
	s6 =	sadd.s32 @!p0 $0x88, s6;
	s7 =	simm.s32 @p2 $0x1082  }
0x22: {  	[simem:s7], [sflag:s8] =	dma.local @!p0 [hbm:s6], $0xF7A  }
0x23: {  	s9 =	sor.u32 $0xD0000000, s2;
	s6 =	simm.s32 $0x108;
	_ =	swait.ge @!p0 [sflag:s8], $0x0  }
0x24: {  	s3 =	sadd.s32 $0x88, s3;
	s6 =	simm.s32 @!p1 $0x1082;
	[sflag:s4] =	ssyncset.s32 $0xFFFFF086  }
0x25: {  	[simem:s6], [sflag:s4] =	dma.local [hbm:s3], $0xF7A  }
0x26: {  	[smem:$0x3F9F] =	sst s1;
	(tag) =	ssettag s2;
	_ =	strace s9  }
0x27: {  	s1 =	sld [smem:$0x3FAF]  }
0x28: {  	s2 =	sld [smem:$0x3FB0]  }
0x29: {  	s4 =	sld [smem:$0x3FB2]  }
0x2a: {  	p0 =	seq.s32 s5, $0x0;
	s5 =	sld [smem:$0x3FB3]  }
0x2b: {  	s6 =	sld [smem:$0x3FB4]  }
0x2c: {  	s7 =	sld [smem:$0x3FB5]  }
0x2d: {  	s3 =	simm.s32 $0x108;
	s8 =	sld [smem:$0x3FB6]  }
0x2e: {  	s3 =	simm.s32 @!p0 $0x1082;
	s9 =	sld [smem:$0x3FB7]  }
0x2f: {  	lr =	sadd.s32 s0, s3;
	s0 =	sld [smem:$0x3FAE]  }
0x30: {  	s3 =	sld [smem:$0x3FB1]  }
0x31: {  	[smem:$0x3FBA] =	sst s10  }
0x32: {  	s10 =	sld [smem:$0x3FB8];
	_ =	sdelay $0x3  }
0x33: {  	p0 =	seq.s32 s10, $0x1;
	s10 =	sld [smem:$0x3FBA];
	_ =	sdelay $0x3  }
0x34: {  	[smem:$0x3FBA] =	sst s10  }
0x35: {  	s10 =	sld [smem:$0x3FB9];
	_ =	sdelay $0x3  }
0x36: {  	p1 =	seq.s32 s10, $0x1;
	s10 =	sld [smem:$0x3FBA];
	_ =	sdelay $0x3  }
0x37: {  	[smem:$0x3FBA] =	sst s10  }
0x38: {  	s10 =	sld [smem:$0x3FBB]  }
0x39: {  	_ = 	snop;
	(pc) =	sbr.ind lr, $3  }
0x3a: {  	_ = 	snop  }
0x3b: {  	_ = 	snop  }
0x3c: {  	p2 =	seq.s32 s10, $0x1;
	s10 =	sld [smem:$0x3FBA]  }
0x3d: {  	_ =	shalt  }
0x3e: {  	_ =	shalt  }
0x3f: {  	_ =	shalt  }
0x40: {  	_ =	shalt  }
0x41: {  	_ =	shalt  }
0x42: {  	_ =	shalt  }
0x43: {  	_ =	shalt  }
0x44: {  	_ =	shalt  }
0x45: {  	_ =	shalt  }
0x46: {  	_ =	shalt  }
0x47: {  	_ =	shalt  }
0x48: {  	_ =	shalt  }
0x49: {  	_ =	shalt  }
0x4a: {  	_ =	shalt  }
0x4b: {  	_ =	shalt  }
0x4c: {  	_ =	shalt  }
0x4d: {  	_ =	shalt  }
0x4e: {  	_ =	shalt  }
0x4f: {  	_ =	shalt  }
0x50: {  	_ =	shalt  }
0x51: {  	_ =	shalt  }
0x52: {  	_ =	shalt  }
0x53: {  	_ =	shalt  }
0x54: {  	_ =	shalt  }
0x55: {  	_ =	shalt  }
0x56: {  	_ =	shalt  }
0x57: {  	_ =	shalt  }
0x58: {  	_ =	shalt  }
0x59: {  	_ =	shalt  }
0x5a: {  	_ =	shalt  }
0x5b: {  	_ =	shalt  }
0x5c: {  	_ =	shalt  }
0x5d: {  	_ =	shalt  }
0x5e: {  	_ =	shalt  }
0x5f: {  	_ =	shalt  }
0x60: {  	_ =	shalt  }
0x61: {  	_ =	shalt  }
0x62: {  	_ =	shalt  }
0x63: {  	_ =	shalt  }
0x64: {  	_ =	shalt  }
0x65: {  	_ =	shalt  }
0x66: {  	_ =	shalt  }
0x67: {  	_ =	shalt  }
0x68: {  	_ =	shalt  }
0x69: {  	_ =	shalt  }
0x6a: {  	_ =	shalt  }
0x6b: {  	_ =	shalt  }
0x6c: {  	_ =	shalt  }
0x6d: {  	_ =	shalt  }
0x6e: {  	_ =	shalt  }
0x6f: {  	_ =	shalt  }
0x70: {  	_ =	shalt  }
0x71: {  	_ =	shalt  }
0x72: {  	_ =	shalt  }
0x73: {  	_ =	shalt  }
0x74: {  	_ =	shalt  }
0x75: {  	_ =	shalt  }
0x76: {  	_ =	shalt  }
0x77: {  	_ =	shalt  }
0x78: {  	_ =	shalt  }
0x79: {  	_ =	shalt  }
0x7a: {  	_ =	shalt  }
0x7b: {  	_ =	shalt  }
0x7c: {  	_ =	shalt  }
0x7d: {  	_ =	shalt  }
0x7e: {  	_ =	shalt  }
0x7f: {  	_ =	shalt  }
0x80: {  	_ =	shalt  }
0x81: {  	_ =	shalt  }
0x82: {  	_ =	shalt  }
0x83: {  	_ =	shalt  }
0x84: {  	_ =	shalt  }
0x85: {  	_ =	shalt  }
0x86: {  	_ =	shalt  }
0x87: {  	_ =	shalt  }
.Lfunc_end0:
.L_simem_size_0:
called_computation_lowered:
.L_overlay_start_0:
0x88: {  	s2 =	sld [smem:$0x3FD9]  }
0x89: {  	s3 =	sld [smem:$0x3FFE];
	_ =	sdelay $0x1  }
0x8a: {  	s1 =	srdreg.scid  }
0x8b: {  	s0 =	sand.u32 $0x1, s1  }
0x8c: {  	s18 =	sshll.u32 s0, $0xA;
	s2 =	sadd.s32 s3, s2  }
0x8d: {  	s2 =	sadd.s32 s2, s18  }
0x8e: {  	[smem:$0x3FC6] =	sst s2  }
0x8f: {  	_ = 	snop  }
0x90: {  	s2 =	sld [smem:$0x3FC9]  }
0x91: {  	s19 =	sld [smem:$0x3FC8]  }
0x92: {  	s4 =	sld [smem:$0x3FD0];
	(tm) =	ssettm $0x1  }
0x93: {  	s5 =	sld [smem:$0x3FFB];
	_ =	sdelay $0x3  }
0x94: {  	_ =	strace s5  }
0x95: {  	s5 =	sld [smem:$0x3FFC];
	_ =	sdelay $0x3  }
0x96: {  	_ =	strace s5  }
0x97: {  	s5 =	sld [smem:$0x3FFD];
	_ =	sdelay $0x3  }
0x98: {  	_ =	strace s5  }
0x99: {  	_ =	strace $0x8FFFFFFF  }
0x9a: {  	s20 =	sld [smem:$0x3FDB];
	_ =	sdelay $0x1  }
0x9b: {  	s6 =	simm.s32 $_scs_section_size  }
0x9c: {  	s7 =	simm.s32 $_size__tile_overlayer_lowered;
	s8 =	simm.s32 $_tile_overlayer_lowered  }
0x9d: {  	s23 =	simm.s32 $0x1BFF;
	s22 =	sshll.u32 s8, $0x1;
	s5 =	sadd.s32 s6, s20  }
0x9e: {  	s9 =	simm.s32 $0x0;
	s21 =	sshll.u32 s7, $0x1;
	s7 =	sadd.s32 s22, s5  }
0x9f: {  	[timem:s9], [sflag:s23] =	dma.local [hbm:s7], s21  }
0xa0: {  	_ =	swait.ge [sflag:s23], s21  }
0xa1: {  	s6 =	ssub.s32 $0x0, s21;
	[sflag:s23] =	ssyncset.done $0x0  }
0xa2: {  	[sflag:s23] =	ssyncadd.s32 s6;
	_ =	sdelay $0x1  }
0xa3: {  	s24 =	simm.s32 $0x1B8B  }
0xa4: {  	_ =	swait.ge [sflag:s24], $0x1  }
0xa5: {  	[sflag:s24] =	ssyncset.done $0x0  }
0xa6: {  	s25 =	simm.s32 $0x1B8E;
	[sflag:s24] =	ssyncadd.s32 $0xFFFFFFFF  }
0xa7: {  	s26 =	simm.s32 $execute0_lowered;
	[smem:$0x3FD2] =	sst s25  }
0xa8: {  	s6 =	sshll.u32 s26, $0x1;
	_ =	strace $0x80000046;
	[dreg:$0x1] =	wrdreg $0xFFFFFFFF  }
0xa9: {  	s28 =	simm.s32 $_size_execute0_lowered;
	s5 =	sadd.s32 s5, s6;
	[dreg:$0x0] =	wrdreg $0x0  }
0xaa: {  	s6 =	sshll.u32 s28, $0x1;
	[dreg:$0x2] =	wrdreg s5  }
0xab: {  	[dreg:$0x3] =	wrdreg s6  }
0xac: {  	[dreg:$0x4] =	wrdreg $0xC0  }
0xad: {  	_ =	task [dreg:s9], $0x5FFFF  }
0xae: {  	[dreg:$0x1] =	wrdreg $0xFFFFFFFF  }
0xaf: {  	[dreg:$0x0] =	wrdreg $0x60  }
0xb0: {  	[dreg:$0x2] =	wrdreg s2  }
0xb1: {  	[dreg:$0x3] =	wrdreg s19  }
0xb2: {  	[dreg:$0x4] =	wrdreg s4  }
0xb3: {  	[dreg:$0x5] =	wrdreg $0x9  }
0xb4: {  	_ =	task.clear_ibuf [dreg:s9], $0x6FFFF;
	_ =	strace $0x90000046  }
0xb5: {  	s29 =	simm.s32 $0x9;
	_ =	strace $0x80000048  }
0xb6: {  	_ =	swait.ge [sflag:s29], $0x1  }
0xb7: {  	[sflag:s29] =	ssyncadd.s32 $0xFFFFFFFF  }
0xb8: {  	_ =	strace $0x90000048  }
0xb9: {  	_ =	sfence  }
0xba: {  	s30 =	sld [smem:$0x0];
	_ =	sdelay $0x2  }
0xbb: {  	s31 =	sshll.u32 s1, $0xD;
	s1 =	sshrl.u32 s1, $0x2  }
0xbc: {  	s3 =	sand.u32 $0x4000, s31;
	s1 =	sadd.s32 s1, s30  }
0xbd: {  	s0 =	sor.u32 s3, s0;
	s1 =	sshll.u32 s1, $0x11  }
0xbe: {  	s0 =	sor.u32 s1, s0  }
0xbf: {  	s0 =	sadd.s32 $0x8F2B, s0  }
0xc0: {  	[sflag:s0] =	ssyncadd.remote.s32 $0x1  }
0xc1: {  	_ =	sfence.sel $0xFFFF  }
0xc2: {  	[dreg:$0x0] =	wrdreg $0xFFFFFFFF;
	(pc) =	sbr.abs _section_cstart, $3  }
0xc3: {  	[dreg:$0x1] =	wrdreg $0xFFFFFFFF  }
0xc4: {  	_ =	task.clear_ibuf [dreg:s9], $0x2FFFF;
	_ =	strace $0x9FFFFFFF  }
0xc5: {  	(tm) =	ssettm $0x7FFFFFFF  }
tec
execute0_lowered:
.L_overlay_start_1:
0x0: {  	(tag) =	ssettag $0x1  }
0x1: {  	s1 =	rddreg [dreg:$0x0];
	s2 =	srdreg.scid  }
0x2: {  	s0 =	stileid.u32;
	s6 =	rddreg [dreg:$0x1]  }
0x3: {  	s3 =	rddreg [dreg:$0x2];
	s5 =	simm.s32 $0x0;
	s11 =	simm.s32 $0x2000  }
0x4: {  	s12 =	simm.s32 $0xC3800;
	s13 =	simm.s32 $0x1;
	s14 =	simm.s32 $0x4000  }
0x5: {  	s15 =	simm.s32 $0x8000;
	s2 =	sand.u32 $0x1, s2;
	s4 =	sshll.u32 s0, $0x1  }
0x6: {  	s16 =	simm.s32 $0x3;
	s17 =	simm.s32 $0x2;
	s4 =	sor.u32 s2, s4  }
0x7: {  	s18 =	simm.s32 $0x0;
	[smem:$0x7FF] =	sst s5;
	s7 =	smul.u32 $0x187000, s4  }
.Ltmp0:
0x8: {  	p0 =	sgt.u32 s0, $0xC;
	s2 =	ssub.s32 $0x2, s2;
	(pc) =	sbr.rel .LBB2_1-.Ltmp0, $4  }
0x9: {  	_ =	strace $0x80000047;
	s8 =	sshrl.u32 s2, $0x1;
	s9 =	smul.u32 $0x600, s4  }
0xa: {  	s31 =	sshll.u32 s4, $0xA;
	s2 =	ssub.s32 s2, s8;
	s7 =	sshrl.u32 s7, $0x3  }
0xb: {  	s8 =	sadd.s32 s1, s31;
	s6 =	sadd.s32 s6, s9;
	s7 =	sadd.s32 s3, s7  }
0xc: {  	s9 =	sor.u32 $0x20, s4;
	s10 =	smax.u32 s2, $0x1;
	s7 =	sadd.s32 $0x30800, s7  }
.LBB2_11:
0xd: {  	s18 =	sadd.s32 $0x1, s18  }
0xe: {  	p1 =	sne.s32 s18, s10  }
.Ltmp1:
0xf: {  	_ = 	snop;
	(pc) =	sbr.rel @!p1 .LBB2_12-.Ltmp1, $1  }
0x10: {  	_ =	sdelay $0x3  }
.LBB2_1:
0x11: {  	s2 =	simm.s32 @!p0 $0x0;
	s19 =	simm.s32 @!p0 $0xC000;
	s20 =	simm.s32 @!p0 $0x3  }
0x12: {  	[tilespmem:s19], [sflag:$0x3] =	stream.linear.gather @!p0 [hbm4b:s6+s2], $0x3000, $0x38;
	[tilespmem:$0xF000] =	vst v63  }
0x13: {  	_ =	swait.ge @!p0 [sflag:s20], $0x3000  }
0x14: {  	[sflag:s20] =	ssyncset.done @!p0 $0x0  }
0x15: {  	[sflag:s20] =	ssyncadd.s32 @!p0 $0xFFFFD000  }
0x16: {  	[hbm4b:s7+s2] =	stream.linear.scatter @!p0 [tilespmem:s19], [sflag:$0x3], $0x3000, $0x38;
	[tilespmem:$0xF000] =	vst v63  }
0x17: {  	s22 =	smov.u32 s9;
	_ =	swait.ge @!p0 [sflag:s20], $0x3000  }
0x18: {  	s24 =	simm.s32 $0x0;
	s21 =	simm.s32 $0x0;
	[sflag:s20] =	ssyncset.done @!p0 $0x0  }
0x19: {  	s19 =	smov.u32 s4;
	[sflag:s20] =	ssyncadd.s32 @!p0 $0xFFFFD000;
	s20 =	simm.s32 $0x0  }
0x1a: {  	[tilespmem:s5], [sflag:$0x1] =	stream.strided.gather [hbm4b:s8+s11], $0x4000, s12, s11, $0x38;
	[tilespmem:$0xF000] =	vst v63  }
.LBB2_2:
0x1b: {  	s23 =	smul.u32 $0x187000, s24  }
0x1c: {  	s2 =	sshll.u32 s22, $0xD  }
0x1d: {  	_ =	swait.ge [sflag:s13], $0x4000;
	s2 =	sadd.s32 s23, s2  }
0x1e: {  	[sflag:s13] =	ssyncset.done $0x0;
	s2 =	sshrl.u32 s2, $0x3  }
0x1f: {  	s25 =	simm.s32 $0x0;
	[sflag:s13] =	ssyncadd.s32 $0xFFFFC000;
	s2 =	sadd.s32 s1, s2  }
0x20: {  	[tilespmem:s14], [sflag:$0x2] =	stream.strided.gather [hbm4b:s2+s11], $0x4000, s12, s11, $0x38;
	[tilespmem:$0xF000] =	vst v63  }
0x21: {  	s26 =	sand.u32 $0x1C00, s25;
	s2 =	sand.u32 $0x70, s25  }
0x22: {  	s2 =	sor.u32 s2, s26  }
0x23: {  	v0 =	vld [tilespmem:s2+$0x0];
	_ =	sdelay $0x2  }
0x24: {  	s28 =	sand.u32 $0x380, s25;
	s26 =	sand.u32 $0x3800, s25  }
0x25: {  	s26 =	sor.u32 s28, s26  }
0x26: {  	[tilespmem:s26+$0x8000] =	vst v0  }
0x27: {  	v0 =	vld [tilespmem:s2+$0x80];
	_ =	sdelay $0x4  }
0x28: {  	[tilespmem:s26+$0x8010] =	vst v0  }
0x29: {  	v0 =	vld [tilespmem:s2+$0x100];
	_ =	sdelay $0x4  }
0x2a: {  	[tilespmem:s26+$0x8020] =	vst v0  }
0x2b: {  	v0 =	vld [tilespmem:s2+$0x180];
	_ =	sdelay $0x4  }
0x2c: {  	[tilespmem:s26+$0x8030] =	vst v0  }
0x2d: {  	v0 =	vld [tilespmem:s2+$0x200];
	_ =	sdelay $0x4  }
0x2e: {  	[tilespmem:s26+$0x8040] =	vst v0  }
0x2f: {  	v0 =	vld [tilespmem:s2+$0x280];
	_ =	sdelay $0x4  }
0x30: {  	[tilespmem:s26+$0x8050] =	vst v0  }
0x31: {  	v0 =	vld [tilespmem:s2+$0x300];
	_ =	sdelay $0x3  }
0x32: {  	s28 =	sor.u32 s25, s25  }
0x33: {  	s28 =	sor.u32 $0x380, s28;
	[tilespmem:s26+$0x8060] =	vst v0  }
0x34: {  	v0 =	vld [tilespmem:s28+$0x0];
	_ =	sdelay $0x4  }
0x35: {  	[tilespmem:s26+$0x8070] =	vst v0  }
0x36: {  	v0 =	vld [tilespmem:s2+$0x2000];
	_ =	sdelay $0x4  }
0x37: {  	[tilespmem:s26+$0x8400] =	vst v0  }
0x38: {  	v0 =	vld [tilespmem:s2+$0x2080];
	_ =	sdelay $0x4  }
0x39: {  	[tilespmem:s26+$0x8410] =	vst v0  }
0x3a: {  	v0 =	vld [tilespmem:s2+$0x2100];
	_ =	sdelay $0x4  }
0x3b: {  	[tilespmem:s26+$0x8420] =	vst v0  }
0x3c: {  	v0 =	vld [tilespmem:s2+$0x2180];
	_ =	sdelay $0x4  }
0x3d: {  	[tilespmem:s26+$0x8430] =	vst v0  }
0x3e: {  	v0 =	vld [tilespmem:s2+$0x2200];
	_ =	sdelay $0x4  }
0x3f: {  	[tilespmem:s26+$0x8440] =	vst v0  }
0x40: {  	v0 =	vld [tilespmem:s2+$0x2280];
	_ =	sdelay $0x4  }
0x41: {  	[tilespmem:s26+$0x8450] =	vst v0  }
0x42: {  	v0 =	vld [tilespmem:s2+$0x2300];
	_ =	sdelay $0x4  }
0x43: {  	[tilespmem:s26+$0x8460] =	vst v0  }
0x44: {  	v0 =	vld [tilespmem:s2+$0x2380];
	_ =	sdelay $0x2  }
0x45: {  	s29 =	simm.s32 $0x80;
	s28 =	simm.s32 $0x10  }
0x46: {  	s30 =	simm.s32 $0x20;
	s31 =	sand.u32 $0x70, s28;
	s2 =	sand.u32 $0x1C00, s29  }
.LBB2_3:
0x47: {  	p1 =	sne.s32 s30, $0x3F0;
	s31 =	sor.u32 s31, s2;
	[tilespmem:s26+$0x8470] =	vst v0  }
0x48: {  	v0 =	vld [tilespmem:s31+$0x0];
	_ =	sdelay $0x1  }
0x49: {  	s25 =	sadd.s32 $0x100, s25  }
0x4a: {  	s26 =	sand.u32 $0x380, s29;
	s2 =	sand.u32 $0x3800, s25  }
0x4b: {  	s26 =	sor.u32 s26, s2  }
0x4c: {  	[tilespmem:s26+$0x8000] =	vst v0  }
0x4d: {  	v0 =	vld [tilespmem:s31+$0x80];
	_ =	sdelay $0x4  }
0x4e: {  	[tilespmem:s26+$0x8010] =	vst v0  }
0x4f: {  	v0 =	vld [tilespmem:s31+$0x100];
	_ =	sdelay $0x4  }
0x50: {  	[tilespmem:s26+$0x8020] =	vst v0  }
0x51: {  	v0 =	vld [tilespmem:s31+$0x180];
	_ =	sdelay $0x4  }
0x52: {  	[tilespmem:s26+$0x8030] =	vst v0  }
0x53: {  	v0 =	vld [tilespmem:s31+$0x200];
	_ =	sdelay $0x4  }
0x54: {  	[tilespmem:s26+$0x8040] =	vst v0  }
0x55: {  	v0 =	vld [tilespmem:s31+$0x280];
	_ =	sdelay $0x4  }
0x56: {  	[tilespmem:s26+$0x8050] =	vst v0  }
0x57: {  	v0 =	vld [tilespmem:s31+$0x300];
	_ =	sdelay $0x3  }
0x58: {  	s2 =	sor.u32 s29, s28;
	s28 =	smov.u32 s30  }
0x59: {  	s2 =	sor.u32 $0x380, s2;
	[tilespmem:s26+$0x8060] =	vst v0  }
0x5a: {  	v0 =	vld [tilespmem:s2+$0x0];
	_ =	sdelay $0x4  }
0x5b: {  	[tilespmem:s26+$0x8070] =	vst v0  }
0x5c: {  	v0 =	vld [tilespmem:s31+$0x2000];
	_ =	sdelay $0x4  }
0x5d: {  	[tilespmem:s26+$0x8400] =	vst v0  }
0x5e: {  	v0 =	vld [tilespmem:s31+$0x2080];
	_ =	sdelay $0x4  }
0x5f: {  	[tilespmem:s26+$0x8410] =	vst v0  }
0x60: {  	v0 =	vld [tilespmem:s31+$0x2100];
	_ =	sdelay $0x4  }
0x61: {  	[tilespmem:s26+$0x8420] =	vst v0  }
0x62: {  	v0 =	vld [tilespmem:s31+$0x2180];
	_ =	sdelay $0x4  }
0x63: {  	[tilespmem:s26+$0x8430] =	vst v0  }
0x64: {  	v0 =	vld [tilespmem:s31+$0x2200];
	_ =	sdelay $0x4  }
0x65: {  	[tilespmem:s26+$0x8440] =	vst v0  }
0x66: {  	v0 =	vld [tilespmem:s31+$0x2280];
	_ =	sdelay $0x4  }
0x67: {  	[tilespmem:s26+$0x8450] =	vst v0  }
0x68: {  	v0 =	vld [tilespmem:s31+$0x2300];
	_ =	sdelay $0x4  }
0x69: {  	[tilespmem:s26+$0x8460] =	vst v0  }
.Ltmp2:
0x6a: {  	v0 =	vld [tilespmem:s31+$0x2380];
	(pc) =	sbr.rel @p1 .LBB2_3-.Ltmp2, $3  }
0x6b: {  	_ =	sdelay $0x1  }
0x6c: {  	s29 =	sadd.s32 $0x80, s29  }
0x6d: {  	s30 =	sadd.s32 $0x10, s30;
	s2 =	sand.u32 $0x1C00, s29;
	s31 =	sand.u32 $0x70, s28  }
0x6e: {  	s2 =	sor.u32 s31, s2;
	[tilespmem:s26+$0x8470] =	vst v0  }
0x6f: {  	v0 =	vld [tilespmem:s2+$0x0];
	_ =	sdelay $0x1  }
0x70: {  	s25 =	sadd.s32 $0x100, s25  }
0x71: {  	s31 =	sand.u32 $0x380, s29;
	s25 =	sand.u32 $0x3800, s25  }
0x72: {  	s25 =	sor.u32 s31, s25  }
0x73: {  	[tilespmem:s25+$0x8000] =	vst v0  }
0x74: {  	v0 =	vld [tilespmem:s2+$0x80];
	_ =	sdelay $0x4  }
0x75: {  	[tilespmem:s25+$0x8010] =	vst v0  }
0x76: {  	v0 =	vld [tilespmem:s2+$0x100];
	_ =	sdelay $0x4  }
0x77: {  	[tilespmem:s25+$0x8020] =	vst v0  }
0x78: {  	v0 =	vld [tilespmem:s2+$0x180];
	_ =	sdelay $0x4  }
0x79: {  	[tilespmem:s25+$0x8030] =	vst v0  }
0x7a: {  	v0 =	vld [tilespmem:s2+$0x200];
	_ =	sdelay $0x4  }
0x7b: {  	[tilespmem:s25+$0x8040] =	vst v0  }
0x7c: {  	v0 =	vld [tilespmem:s2+$0x280];
	_ =	sdelay $0x4  }
0x7d: {  	[tilespmem:s25+$0x8050] =	vst v0  }
0x7e: {  	v0 =	vld [tilespmem:s2+$0x300];
	_ =	sdelay $0x3  }
0x7f: {  	s31 =	sor.u32 s29, s28  }
0x80: {  	s26 =	sor.u32 $0x380, s31;
	[tilespmem:s25+$0x8060] =	vst v0  }
0x81: {  	v0 =	vld [tilespmem:s26+$0x0];
	_ =	sdelay $0x4  }
0x82: {  	[tilespmem:s25+$0x8070] =	vst v0  }
0x83: {  	v0 =	vld [tilespmem:s2+$0x2000];
	_ =	sdelay $0x4  }
0x84: {  	[tilespmem:s25+$0x8400] =	vst v0  }
0x85: {  	v0 =	vld [tilespmem:s2+$0x2080];
	_ =	sdelay $0x4  }
0x86: {  	[tilespmem:s25+$0x8410] =	vst v0  }
0x87: {  	v0 =	vld [tilespmem:s2+$0x2100];
	_ =	sdelay $0x4  }
0x88: {  	[tilespmem:s25+$0x8420] =	vst v0  }
0x89: {  	v0 =	vld [tilespmem:s2+$0x2180];
	_ =	sdelay $0x4  }
0x8a: {  	[tilespmem:s25+$0x8430] =	vst v0  }
0x8b: {  	v0 =	vld [tilespmem:s2+$0x2200];
	_ =	sdelay $0x4  }
0x8c: {  	[tilespmem:s25+$0x8440] =	vst v0  }
0x8d: {  	v0 =	vld [tilespmem:s2+$0x2280];
	_ =	sdelay $0x4  }
0x8e: {  	[tilespmem:s25+$0x8450] =	vst v0  }
0x8f: {  	v0 =	vld [tilespmem:s2+$0x2300];
	_ =	sdelay $0x4  }
0x90: {  	[tilespmem:s25+$0x8460] =	vst v0  }
0x91: {  	v0 =	vld [tilespmem:s2+$0x2380]  }
0x92: {  	s20 =	smul.u32 $0x187000, s20  }
0x93: {  	s19 =	sshll.u32 s19, $0xE  }
0x94: {  	s2 =	sadd.s32 s20, s19  }
0x95: {  	s2 =	sshrl.u32 s2, $0x3  }
0x96: {  	s19 =	sadd.s32 $0x20, s22;
	s2 =	sadd.s32 s3, s2;
	[tilespmem:s25+$0x8470] =	vst v0  }
0x97: {  	[hbm4b:s2+s5] =	stream.linear.scatter [tilespmem:s15], [sflag:$0x3], $0x4000, $0x38;
	[tilespmem:$0xF000] =	vst v63  }
0x98: {  	p2 =	sgt.s32 s19, $0x60;
	s2 =	simm.s32 $0x1  }
0x99: {  	s2 =	simm.s32 @!p2 $0x0  }
0x9a: {  	s20 =	sadd.s32 s2, s24  }
0x9b: {  	_ =	swait.ge [sflag:s16], $0x4000;
	s2 =	sadd.s32 $0xFFFFFFBF, s22;
	p1 =	sgt.s32 s20, $0x19  }
0x9c: {  	[sflag:s16] =	ssyncset.done $0x0;
	s19 =	smov.u32 @p2 s2;
	s2 =	smul.u32 @!p1 $0x187000, s20  }
0x9d: {  	[sflag:s16] =	ssyncadd.s32 $0xFFFFC000;
	s24 =	sshll.u32 @!p1 s19, $0xD  }
0x9e: {  	_ =	swait.ge [sflag:s17], $0x4000;
	s25 =	simm.s32 @!p1 $0xC3800;
	s2 =	sadd.s32 @!p1 s24, s2  }
0x9f: {  	s26 =	simm.s32 @!p1 $0x0;
	[sflag:s17] =	ssyncset.done $0x0;
	s2 =	sshrl.u32 @!p1 s2, $0x3  }
0xa0: {  	[sflag:s17] =	ssyncadd.s32 $0xFFFFC000;
	s24 =	simm.s32 @!p1 $0x2000;
	s2 =	sadd.s32 @!p1 s1, s2  }
0xa1: {  	[tilespmem:s26], [sflag:$0x1] =	stream.strided.gather @!p1 [hbm4b:s2+s24], $0x4000, s25, s24, $0x38;
	[tilespmem:$0xF000] =	vst v63  }
0xa2: {  	s24 =	simm.s32 $0x0  }
0xa3: {  	s26 =	sand.u32 $0x70, s24;
	s31 =	sand.u32 $0x1C00, s24  }
0xa4: {  	s2 =	sor.u32 s26, s31  }
0xa5: {  	v0 =	vld [tilespmem:s2+$0x4000];
	_ =	sdelay $0x2  }
0xa6: {  	s26 =	sand.u32 $0x3800, s24;
	s31 =	sand.u32 $0x380, s24  }
0xa7: {  	s25 =	sor.u32 s31, s26  }
0xa8: {  	[tilespmem:s25+$0x8000] =	vst v0  }
0xa9: {  	v0 =	vld [tilespmem:s2+$0x4080];
	_ =	sdelay $0x4  }
0xaa: {  	[tilespmem:s25+$0x8010] =	vst v0  }
0xab: {  	v0 =	vld [tilespmem:s2+$0x4100];
	_ =	sdelay $0x4  }
0xac: {  	[tilespmem:s25+$0x8020] =	vst v0  }
0xad: {  	v0 =	vld [tilespmem:s2+$0x4180];
	_ =	sdelay $0x4  }
0xae: {  	[tilespmem:s25+$0x8030] =	vst v0  }
0xaf: {  	v0 =	vld [tilespmem:s2+$0x4200];
	_ =	sdelay $0x4  }
0xb0: {  	[tilespmem:s25+$0x8040] =	vst v0  }
0xb1: {  	v0 =	vld [tilespmem:s2+$0x4280];
	_ =	sdelay $0x4  }
0xb2: {  	[tilespmem:s25+$0x8050] =	vst v0  }
0xb3: {  	v0 =	vld [tilespmem:s2+$0x4300];
	_ =	sdelay $0x3  }
0xb4: {  	s31 =	sor.u32 s24, s24  }
0xb5: {  	s26 =	sor.u32 $0x380, s31;
	[tilespmem:s25+$0x8060] =	vst v0  }
0xb6: {  	v0 =	vld [tilespmem:s26+$0x4000];
	_ =	sdelay $0x4  }
0xb7: {  	[tilespmem:s25+$0x8070] =	vst v0  }
0xb8: {  	v0 =	vld [tilespmem:s2+$0x6000];
	_ =	sdelay $0x4  }
0xb9: {  	[tilespmem:s25+$0x8400] =	vst v0  }
0xba: {  	v0 =	vld [tilespmem:s2+$0x6080];
	_ =	sdelay $0x4  }
0xbb: {  	[tilespmem:s25+$0x8410] =	vst v0  }
0xbc: {  	v0 =	vld [tilespmem:s2+$0x6100];
	_ =	sdelay $0x4  }
0xbd: {  	[tilespmem:s25+$0x8420] =	vst v0  }
0xbe: {  	v0 =	vld [tilespmem:s2+$0x6180];
	_ =	sdelay $0x4  }
0xbf: {  	[tilespmem:s25+$0x8430] =	vst v0  }
0xc0: {  	v0 =	vld [tilespmem:s2+$0x6200];
	_ =	sdelay $0x4  }
0xc1: {  	[tilespmem:s25+$0x8440] =	vst v0  }
0xc2: {  	v0 =	vld [tilespmem:s2+$0x6280];
	_ =	sdelay $0x4  }
0xc3: {  	[tilespmem:s25+$0x8450] =	vst v0  }
0xc4: {  	v0 =	vld [tilespmem:s2+$0x6300];
	_ =	sdelay $0x4  }
0xc5: {  	[tilespmem:s25+$0x8460] =	vst v0  }
0xc6: {  	v0 =	vld [tilespmem:s2+$0x6380];
	_ =	sdelay $0x2  }
0xc7: {  	s28 =	simm.s32 $0x80;
	s26 =	simm.s32 $0x10  }
0xc8: {  	s29 =	simm.s32 $0x20;
	s30 =	sand.u32 $0x70, s26;
	s2 =	sand.u32 $0x1C00, s28  }
.LBB2_5:
0xc9: {  	p2 =	sne.s32 s29, $0x3F0;
	s30 =	sor.u32 s30, s2;
	[tilespmem:s25+$0x8470] =	vst v0  }
0xca: {  	v0 =	vld [tilespmem:s30+$0x4000];
	_ =	sdelay $0x1  }
0xcb: {  	s24 =	sadd.s32 $0x100, s24  }
0xcc: {  	s25 =	sand.u32 $0x380, s28;
	s2 =	sand.u32 $0x3800, s24  }
0xcd: {  	s25 =	sor.u32 s25, s2  }
0xce: {  	[tilespmem:s25+$0x8000] =	vst v0  }
0xcf: {  	v0 =	vld [tilespmem:s30+$0x4080];
	_ =	sdelay $0x4  }
0xd0: {  	[tilespmem:s25+$0x8010] =	vst v0  }
0xd1: {  	v0 =	vld [tilespmem:s30+$0x4100];
	_ =	sdelay $0x4  }
0xd2: {  	[tilespmem:s25+$0x8020] =	vst v0  }
0xd3: {  	v0 =	vld [tilespmem:s30+$0x4180];
	_ =	sdelay $0x4  }
0xd4: {  	[tilespmem:s25+$0x8030] =	vst v0  }
0xd5: {  	v0 =	vld [tilespmem:s30+$0x4200];
	_ =	sdelay $0x4  }
0xd6: {  	[tilespmem:s25+$0x8040] =	vst v0  }
0xd7: {  	v0 =	vld [tilespmem:s30+$0x4280];
	_ =	sdelay $0x4  }
0xd8: {  	[tilespmem:s25+$0x8050] =	vst v0  }
0xd9: {  	v0 =	vld [tilespmem:s30+$0x4300];
	_ =	sdelay $0x3  }
0xda: {  	s2 =	sor.u32 s28, s26;
	s26 =	smov.u32 s29  }
0xdb: {  	s2 =	sor.u32 $0x380, s2;
	[tilespmem:s25+$0x8060] =	vst v0  }
0xdc: {  	v0 =	vld [tilespmem:s2+$0x4000];
	_ =	sdelay $0x4  }
0xdd: {  	[tilespmem:s25+$0x8070] =	vst v0  }
0xde: {  	v0 =	vld [tilespmem:s30+$0x6000];
	_ =	sdelay $0x4  }
0xdf: {  	[tilespmem:s25+$0x8400] =	vst v0  }
0xe0: {  	v0 =	vld [tilespmem:s30+$0x6080];
	_ =	sdelay $0x4  }
0xe1: {  	[tilespmem:s25+$0x8410] =	vst v0  }
0xe2: {  	v0 =	vld [tilespmem:s30+$0x6100];
	_ =	sdelay $0x4  }
0xe3: {  	[tilespmem:s25+$0x8420] =	vst v0  }
0xe4: {  	v0 =	vld [tilespmem:s30+$0x6180];
	_ =	sdelay $0x4  }
0xe5: {  	[tilespmem:s25+$0x8430] =	vst v0  }
0xe6: {  	v0 =	vld [tilespmem:s30+$0x6200];
	_ =	sdelay $0x4  }
0xe7: {  	[tilespmem:s25+$0x8440] =	vst v0  }
0xe8: {  	v0 =	vld [tilespmem:s30+$0x6280];
	_ =	sdelay $0x4  }
0xe9: {  	[tilespmem:s25+$0x8450] =	vst v0  }
0xea: {  	v0 =	vld [tilespmem:s30+$0x6300];
	_ =	sdelay $0x4  }
0xeb: {  	[tilespmem:s25+$0x8460] =	vst v0  }
.Ltmp3:
0xec: {  	v0 =	vld [tilespmem:s30+$0x6380];
	(pc) =	sbr.rel @p2 .LBB2_5-.Ltmp3, $3  }
0xed: {  	_ =	sdelay $0x1  }
0xee: {  	s28 =	sadd.s32 $0x80, s28  }
0xef: {  	s29 =	sadd.s32 $0x10, s29;
	s2 =	sand.u32 $0x1C00, s28;
	s30 =	sand.u32 $0x70, s26  }
0xf0: {  	s2 =	sor.u32 s30, s2;
	[tilespmem:s25+$0x8470] =	vst v0  }
0xf1: {  	v0 =	vld [tilespmem:s2+$0x4000];
	_ =	sdelay $0x1  }
0xf2: {  	s24 =	sadd.s32 $0x100, s24  }
0xf3: {  	s29 =	sand.u32 $0x380, s28;
	s24 =	sand.u32 $0x3800, s24  }
0xf4: {  	s24 =	sor.u32 s29, s24  }
0xf5: {  	[tilespmem:s24+$0x8000] =	vst v0  }
0xf6: {  	v0 =	vld [tilespmem:s2+$0x4080];
	_ =	sdelay $0x4  }
0xf7: {  	[tilespmem:s24+$0x8010] =	vst v0  }
0xf8: {  	v0 =	vld [tilespmem:s2+$0x4100];
	_ =	sdelay $0x4  }
0xf9: {  	[tilespmem:s24+$0x8020] =	vst v0  }
0xfa: {  	v0 =	vld [tilespmem:s2+$0x4180];
	_ =	sdelay $0x4  }
0xfb: {  	[tilespmem:s24+$0x8030] =	vst v0  }
0xfc: {  	v0 =	vld [tilespmem:s2+$0x4200];
	_ =	sdelay $0x4  }
0xfd: {  	[tilespmem:s24+$0x8040] =	vst v0  }
0xfe: {  	v0 =	vld [tilespmem:s2+$0x4280];
	_ =	sdelay $0x4  }
0xff: {  	[tilespmem:s24+$0x8050] =	vst v0  }
0x100: {  	v0 =	vld [tilespmem:s2+$0x4300];
	_ =	sdelay $0x3  }
0x101: {  	s30 =	sor.u32 s28, s26  }
0x102: {  	s25 =	sor.u32 $0x380, s30;
	[tilespmem:s24+$0x8060] =	vst v0  }
0x103: {  	v0 =	vld [tilespmem:s25+$0x4000];
	_ =	sdelay $0x4  }
0x104: {  	[tilespmem:s24+$0x8070] =	vst v0  }
0x105: {  	v0 =	vld [tilespmem:s2+$0x6000];
	_ =	sdelay $0x4  }
0x106: {  	[tilespmem:s24+$0x8400] =	vst v0  }
0x107: {  	v0 =	vld [tilespmem:s2+$0x6080];
	_ =	sdelay $0x4  }
0x108: {  	[tilespmem:s24+$0x8410] =	vst v0  }
0x109: {  	v0 =	vld [tilespmem:s2+$0x6100];
	_ =	sdelay $0x4  }
0x10a: {  	[tilespmem:s24+$0x8420] =	vst v0  }
0x10b: {  	v0 =	vld [tilespmem:s2+$0x6180];
	_ =	sdelay $0x4  }
0x10c: {  	[tilespmem:s24+$0x8430] =	vst v0  }
0x10d: {  	v0 =	vld [tilespmem:s2+$0x6200];
	_ =	sdelay $0x4  }
0x10e: {  	[tilespmem:s24+$0x8440] =	vst v0  }
0x10f: {  	v0 =	vld [tilespmem:s2+$0x6280];
	_ =	sdelay $0x4  }
0x110: {  	[tilespmem:s24+$0x8450] =	vst v0  }
0x111: {  	v0 =	vld [tilespmem:s2+$0x6300];
	_ =	sdelay $0x4  }
0x112: {  	[tilespmem:s24+$0x8460] =	vst v0  }
0x113: {  	v0 =	vld [tilespmem:s2+$0x6380];
	_ =	sdelay $0x1  }
0x114: {  	s31 =	sshll.u32 s22, $0xE  }
0x115: {  	s21 =	sadd.s32 $0x1, s21;
	s2 =	sadd.s32 s23, s31  }
0x116: {  	p3 =	sne.s32 s21, $0x27;
	s2 =	sshrl.u32 s2, $0x3  }
.Ltmp4:
0x117: {  	s22 =	sadd.s32 $0x20, s19;
	s2 =	sadd.s32 s3, s2;
	[tilespmem:s24+$0x8470] =	vst v0;
	(pc) =	sbr.rel @p3 .LBB2_2-.Ltmp4, $4  }
0x118: {  	[hbm4b:s2+s5] =	stream.linear.scatter [tilespmem:s15], [sflag:$0x3], $0x4000, $0x38;
	[tilespmem:$0xF000] =	vst v63  }
0x119: {  	p2 =	sgt.s32 s22, $0x60;
	s2 =	simm.s32 $0x1;
	_ =	swait.ge [sflag:s16], $0x4000  }
0x11a: {  	s23 =	sadd.s32 $0xFFFFFFBF, s19;
	s2 =	simm.s32 @!p2 $0x0;
	[sflag:s16] =	ssyncset.done $0x0  }
0x11b: {  	s22 =	smov.u32 @p2 s23;
	s24 =	sadd.s32 s2, s20;
	[sflag:s16] =	ssyncadd.s32 $0xFFFFC000  }
.Ltmp5:
0x11c: {  	(pc) =	sbr.rel @p1 .LBB2_11-.Ltmp5, $1  }
0x11d: {  	_ =	sdelay $0x3  }
0x11e: {  	_ =	swait.ge [sflag:s13], $0x4000;
	s21 =	simm.s32 $0x0  }
0x11f: {  	[sflag:s13] =	ssyncset.done $0x0;
	s2 =	sand.u32 $0x70, s21;
	s22 =	sand.u32 $0x1C00, s21  }
0x120: {  	[sflag:s13] =	ssyncadd.s32 $0xFFFFC000;
	s2 =	sor.u32 s2, s22  }
0x121: {  	v0 =	vld [tilespmem:s2+$0x0];
	_ =	sdelay $0x2  }
0x122: {  	s30 =	sand.u32 $0x3800, s21;
	s23 =	sand.u32 $0x380, s21  }
0x123: {  	s22 =	sor.u32 s23, s30  }
0x124: {  	[tilespmem:s22+$0x8000] =	vst v0  }
0x125: {  	v0 =	vld [tilespmem:s2+$0x80];
	_ =	sdelay $0x4  }
0x126: {  	[tilespmem:s22+$0x8010] =	vst v0  }
0x127: {  	v0 =	vld [tilespmem:s2+$0x100];
	_ =	sdelay $0x4  }
0x128: {  	[tilespmem:s22+$0x8020] =	vst v0  }
0x129: {  	v0 =	vld [tilespmem:s2+$0x180];
	_ =	sdelay $0x4  }
0x12a: {  	[tilespmem:s22+$0x8030] =	vst v0  }
0x12b: {  	v0 =	vld [tilespmem:s2+$0x200];
	_ =	sdelay $0x4  }
0x12c: {  	[tilespmem:s22+$0x8040] =	vst v0  }
0x12d: {  	v0 =	vld [tilespmem:s2+$0x280];
	_ =	sdelay $0x4  }
0x12e: {  	[tilespmem:s22+$0x8050] =	vst v0  }
0x12f: {  	v0 =	vld [tilespmem:s2+$0x300];
	_ =	sdelay $0x3  }
0x130: {  	s31 =	sor.u32 s21, s21  }
0x131: {  	s23 =	sor.u32 $0x380, s31;
	[tilespmem:s22+$0x8060] =	vst v0  }
0x132: {  	v0 =	vld [tilespmem:s23+$0x0];
	_ =	sdelay $0x4  }
0x133: {  	[tilespmem:s22+$0x8070] =	vst v0  }
0x134: {  	v0 =	vld [tilespmem:s2+$0x2000];
	_ =	sdelay $0x4  }
0x135: {  	[tilespmem:s22+$0x8400] =	vst v0  }
0x136: {  	v0 =	vld [tilespmem:s2+$0x2080];
	_ =	sdelay $0x4  }
0x137: {  	[tilespmem:s22+$0x8410] =	vst v0  }
0x138: {  	v0 =	vld [tilespmem:s2+$0x2100];
	_ =	sdelay $0x4  }
0x139: {  	[tilespmem:s22+$0x8420] =	vst v0  }
0x13a: {  	v0 =	vld [tilespmem:s2+$0x2180];
	_ =	sdelay $0x4  }
0x13b: {  	[tilespmem:s22+$0x8430] =	vst v0  }
0x13c: {  	v0 =	vld [tilespmem:s2+$0x2200];
	_ =	sdelay $0x4  }
0x13d: {  	[tilespmem:s22+$0x8440] =	vst v0  }
0x13e: {  	v0 =	vld [tilespmem:s2+$0x2280];
	_ =	sdelay $0x4  }
0x13f: {  	[tilespmem:s22+$0x8450] =	vst v0  }
0x140: {  	v0 =	vld [tilespmem:s2+$0x2300];
	_ =	sdelay $0x4  }
0x141: {  	[tilespmem:s22+$0x8460] =	vst v0  }
0x142: {  	v0 =	vld [tilespmem:s2+$0x2380];
	_ =	sdelay $0x2  }
0x143: {  	s24 =	simm.s32 $0x80;
	s23 =	simm.s32 $0x10  }
0x144: {  	s25 =	simm.s32 $0x20;
	s26 =	sand.u32 $0x70, s23;
	s2 =	sand.u32 $0x1C00, s24  }
.LBB2_9:
0x145: {  	p1 =	sne.s32 s25, $0x3F0;
	s26 =	sor.u32 s26, s2;
	[tilespmem:s22+$0x8470] =	vst v0  }
0x146: {  	v0 =	vld [tilespmem:s26+$0x0];
	_ =	sdelay $0x1  }
0x147: {  	s21 =	sadd.s32 $0x100, s21  }
0x148: {  	s22 =	sand.u32 $0x380, s24;
	s2 =	sand.u32 $0x3800, s21  }
0x149: {  	s22 =	sor.u32 s22, s2  }
0x14a: {  	[tilespmem:s22+$0x8000] =	vst v0  }
0x14b: {  	v0 =	vld [tilespmem:s26+$0x80];
	_ =	sdelay $0x4  }
0x14c: {  	[tilespmem:s22+$0x8010] =	vst v0  }
0x14d: {  	v0 =	vld [tilespmem:s26+$0x100];
	_ =	sdelay $0x4  }
0x14e: {  	[tilespmem:s22+$0x8020] =	vst v0  }
0x14f: {  	v0 =	vld [tilespmem:s26+$0x180];
	_ =	sdelay $0x4  }
0x150: {  	[tilespmem:s22+$0x8030] =	vst v0  }
0x151: {  	v0 =	vld [tilespmem:s26+$0x200];
	_ =	sdelay $0x4  }
0x152: {  	[tilespmem:s22+$0x8040] =	vst v0  }
0x153: {  	v0 =	vld [tilespmem:s26+$0x280];
	_ =	sdelay $0x4  }
0x154: {  	[tilespmem:s22+$0x8050] =	vst v0  }
0x155: {  	v0 =	vld [tilespmem:s26+$0x300];
	_ =	sdelay $0x3  }
0x156: {  	s2 =	sor.u32 s24, s23;
	s23 =	smov.u32 s25  }
0x157: {  	s2 =	sor.u32 $0x380, s2;
	[tilespmem:s22+$0x8060] =	vst v0  }
0x158: {  	v0 =	vld [tilespmem:s2+$0x0];
	_ =	sdelay $0x4  }
0x159: {  	[tilespmem:s22+$0x8070] =	vst v0  }
0x15a: {  	v0 =	vld [tilespmem:s26+$0x2000];
	_ =	sdelay $0x4  }
0x15b: {  	[tilespmem:s22+$0x8400] =	vst v0  }
0x15c: {  	v0 =	vld [tilespmem:s26+$0x2080];
	_ =	sdelay $0x4  }
0x15d: {  	[tilespmem:s22+$0x8410] =	vst v0  }
0x15e: {  	v0 =	vld [tilespmem:s26+$0x2100];
	_ =	sdelay $0x4  }
0x15f: {  	[tilespmem:s22+$0x8420] =	vst v0  }
0x160: {  	v0 =	vld [tilespmem:s26+$0x2180];
	_ =	sdelay $0x4  }
0x161: {  	[tilespmem:s22+$0x8430] =	vst v0  }
0x162: {  	v0 =	vld [tilespmem:s26+$0x2200];
	_ =	sdelay $0x4  }
0x163: {  	[tilespmem:s22+$0x8440] =	vst v0  }
0x164: {  	v0 =	vld [tilespmem:s26+$0x2280];
	_ =	sdelay $0x4  }
0x165: {  	[tilespmem:s22+$0x8450] =	vst v0  }
0x166: {  	v0 =	vld [tilespmem:s26+$0x2300];
	_ =	sdelay $0x4  }
0x167: {  	[tilespmem:s22+$0x8460] =	vst v0  }
.Ltmp6:
0x168: {  	v0 =	vld [tilespmem:s26+$0x2380];
	(pc) =	sbr.rel @p1 .LBB2_9-.Ltmp6, $3  }
0x169: {  	_ =	sdelay $0x1  }
0x16a: {  	s24 =	sadd.s32 $0x80, s24  }
0x16b: {  	s25 =	sadd.s32 $0x10, s25;
	s2 =	sand.u32 $0x1C00, s24;
	s26 =	sand.u32 $0x70, s23  }
0x16c: {  	s2 =	sor.u32 s26, s2;
	[tilespmem:s22+$0x8470] =	vst v0  }
0x16d: {  	v0 =	vld [tilespmem:s2+$0x0];
	_ =	sdelay $0x1  }
0x16e: {  	s21 =	sadd.s32 $0x100, s21  }
0x16f: {  	s29 =	sand.u32 $0x380, s24;
	s21 =	sand.u32 $0x3800, s21  }
0x170: {  	s21 =	sor.u32 s29, s21  }
0x171: {  	[tilespmem:s21+$0x8000] =	vst v0  }
0x172: {  	v0 =	vld [tilespmem:s2+$0x80];
	_ =	sdelay $0x4  }
0x173: {  	[tilespmem:s21+$0x8010] =	vst v0  }
0x174: {  	v0 =	vld [tilespmem:s2+$0x100];
	_ =	sdelay $0x4  }
0x175: {  	[tilespmem:s21+$0x8020] =	vst v0  }
0x176: {  	v0 =	vld [tilespmem:s2+$0x180];
	_ =	sdelay $0x4  }
0x177: {  	[tilespmem:s21+$0x8030] =	vst v0  }
0x178: {  	v0 =	vld [tilespmem:s2+$0x200];
	_ =	sdelay $0x4  }
0x179: {  	[tilespmem:s21+$0x8040] =	vst v0  }
0x17a: {  	v0 =	vld [tilespmem:s2+$0x280];
	_ =	sdelay $0x4  }
0x17b: {  	[tilespmem:s21+$0x8050] =	vst v0  }
0x17c: {  	v0 =	vld [tilespmem:s2+$0x300];
	_ =	sdelay $0x3  }
0x17d: {  	s30 =	sor.u32 s24, s23  }
0x17e: {  	s22 =	sor.u32 $0x380, s30;
	[tilespmem:s21+$0x8060] =	vst v0  }
0x17f: {  	v0 =	vld [tilespmem:s22+$0x0];
	_ =	sdelay $0x4  }
0x180: {  	[tilespmem:s21+$0x8070] =	vst v0  }
0x181: {  	v0 =	vld [tilespmem:s2+$0x2000];
	_ =	sdelay $0x4  }
0x182: {  	[tilespmem:s21+$0x8400] =	vst v0  }
0x183: {  	v0 =	vld [tilespmem:s2+$0x2080];
	_ =	sdelay $0x4  }
0x184: {  	[tilespmem:s21+$0x8410] =	vst v0  }
0x185: {  	v0 =	vld [tilespmem:s2+$0x2100];
	_ =	sdelay $0x4  }
0x186: {  	[tilespmem:s21+$0x8420] =	vst v0  }
0x187: {  	v0 =	vld [tilespmem:s2+$0x2180];
	_ =	sdelay $0x4  }
0x188: {  	[tilespmem:s21+$0x8430] =	vst v0  }
0x189: {  	v0 =	vld [tilespmem:s2+$0x2200];
	_ =	sdelay $0x4  }
0x18a: {  	[tilespmem:s21+$0x8440] =	vst v0  }
0x18b: {  	v0 =	vld [tilespmem:s2+$0x2280];
	_ =	sdelay $0x4  }
0x18c: {  	[tilespmem:s21+$0x8450] =	vst v0  }
0x18d: {  	v0 =	vld [tilespmem:s2+$0x2300];
	_ =	sdelay $0x4  }
0x18e: {  	[tilespmem:s21+$0x8460] =	vst v0  }
0x18f: {  	v0 =	vld [tilespmem:s2+$0x2380]  }
0x190: {  	s31 =	smul.u32 $0x187000, s20  }
0x191: {  	s19 =	sshll.u32 s19, $0xE  }
0x192: {  	s2 =	sadd.s32 s31, s19  }
0x193: {  	s2 =	sshrl.u32 s2, $0x3  }
.Ltmp7:
0x194: {  	s2 =	sadd.s32 s3, s2;
	[tilespmem:s21+$0x8470] =	vst v0;
	(pc) =	sbr.rel .LBB2_11-.Ltmp7, $4  }
0x195: {  	[hbm4b:s2+s5] =	stream.linear.scatter [tilespmem:s15], [sflag:$0x3], $0x4000, $0x38;
	[tilespmem:$0xF000] =	vst v63  }
0x196: {  	_ =	swait.ge [sflag:s16], $0x4000  }
0x197: {  	[sflag:s16] =	ssyncset.done $0x0  }
0x198: {  	[sflag:s16] =	ssyncadd.s32 $0xFFFFC000  }
.LBB2_12:
0x199: {  	_ =	sfence.sel $0x180000  }
0x19a: {  	[bflag:$0x0] =	sbarrier.arrive $0xFFFF  }
0x19b: {  	_ =	strace $0x90000047  }
0x19c: {  	[bflag:$0x2] =	sbarrier.arrive $0xFFFF  }
0x19d: {  	p0 =	sne.s32 s0, $0x0;
	s0 =	rddreg [dreg:$0x3]  }
0x19e: {  	s0 =	sadd.s32 @!p0 $0x100000, s0  }
0x19f: {  	[sflag:s0] =	ssyncadd.tile.s32 @!p0 $0x1;
	_ =	shalt  }
.Lfunc_end2:
_tile_overlayer_lowered:
.L_overlay_start_2:
0x1a0: {  	(tag) =	ssettag $0x2  }
0x1a1: {  	s0 =	rddreg [dreg:$0x0];
	s2 =	stileid.u32  }
0x1a2: {  	s1 =	rddreg [dreg:$0x1];
	p0 =	sne.s32 s2, $0x0  }
0x1a3: {  	s3 =	rddreg [dreg:$0x2];
	[bflag:$0x3] =	sbarrier.arrive $0xFFFF;
	s2 =	simm.s32 @!p0 $0x1C03  }
0x1a4: {  	[timem:s3], [sflag:s2] =	dma.local @!p0 [hbm:s0], s1  }
0x1a5: {  	s0 =	simm.s32 @!p0 $0x3  }
0x1a6: {  	_ =	swait.ge @!p0 [sflag:s0], s1  }
0x1a7: {  	s1 =	ssub.s32 @!p0 $0x0, s1;
	[sflag:s0] =	ssyncset.done @!p0 $0x0  }
0x1a8: {  	[sflag:s0] =	ssyncadd.s32 @!p0 s1  }
0x1a9: {  	[bflag:$0x3] =	sbarrier.arrive $0xFFFF  }
0x1aa: {  	_ =	shalt  }

</sc_bundles>
